<compile_context>
chip_gen: v7x
topology: tpu7x:2x2x1
jax: 0.10.2.dev20260603
libtpu: 0.0.44.dev20260713+nightly
codegen_flags: <defaults>
</compile_context>

<pallas_src>
import functools

import jax
import jax.numpy as jnp
from jax import lax
from jax.experimental import pallas as pl
from jax.experimental.pallas import tpu as pltpu
from jax.experimental.pallas import tpu_sc as plsc

_B = 32
_SEG = 3 * _B
_D = 64
_NTOT = 8192
_NC, _NS = 2, 16
_NW = _NC * _NS
_RPW = _NTOT // _NW


def _dot(a, b_t):
    return jax.lax.dot_general(
        a, b_t, (((1,), (1,)), ((), ())), preferred_element_type=jnp.float32
    )


def _lrelu(t):
    return jnp.where(t > 0, t, 0.01 * t)


def _mlp(x, w1, b1, w2, b2, w3, b3):
    h = _lrelu(_dot(x, w1) + b1)
    h = _lrelu(_dot(h, w2) + b2)
    return _dot(h, w3) + b3


def _counts(batch2d, n):
    seg = jax.lax.broadcasted_iota(jnp.int32, (_B, n), 0)
    return jnp.sum((seg == batch2d).astype(jnp.float32), axis=1)


def _mlp_body(x0, x1, x2, bt0, bt1, bt2,
              w01, b01, w02, b02, w03, b03,
              w11, b11, w12, b12, w13, b13,
              w21, b21, w22, b22, w23, b23,
              h_out, cnt_out):
    n0, n1, n2 = x0.shape[0], x1.shape[0], x2.shape[0]
    h_out[0:n0, :] = _mlp(x0[...], w01[...], b01[...], w02[...], b02[...],
                          w03[...], b03[...])
    h_out[n0:n0 + n1, :] = _mlp(x1[...], w11[...], b11[...], w12[...],
                                b12[...], w13[...], b13[...])
    h_out[n0 + n1:, :] = _mlp(x2[...], w21[...], b21[...], w22[...],
                              b22[...], w23[...], b23[...])
    cnt_out[...] = jnp.stack([_counts(bt0[...], n0),
                              _counts(bt1[...], n1),
                              _counts(bt2[...], n2)])


def _sc_pool_body(h_hbm, idx_hbm, zeros_hbm, out_hbm, rows_v, ids_v, acc_v,
                  sem_h, sem_i, sem_z):
    c = lax.axis_index("c")
    s = lax.axis_index("s")
    wid = s * _NC + c
    base = wid * _RPW
    cp_h = pltpu.async_copy(h_hbm.at[pl.ds(base, _RPW)], rows_v, sem_h)
    cp_i = pltpu.async_copy(idx_hbm.at[pl.ds(base, _RPW)], ids_v, sem_i)
    cp_z = pltpu.async_copy(zeros_hbm, acc_v, sem_z)
    cp_h.wait()
    cp_i.wait()
    cp_z.wait()

    ncg = _D // 16
    first = ids_v[pl.ds(0, 16)][0]
    zero = jnp.zeros((16,), jnp.float32)

    def group_step(g, carry):
        cur = carry[0]
        accs = list(carry[1:])
        base_r = g * 16
        seg_vec = ids_v[pl.ds(base_r, 16)]
        for k in range(16):
            seg = seg_vec[k]
            m = (seg == cur).astype(jnp.float32)
            accs = [a * m + rows_v[base_r + k, pl.ds(j * 16, 16)]
                    for j, a in enumerate(accs)]
            for j in range(ncg):
                acc_v[seg, pl.ds(j * 16, 16)] = accs[j]
            cur = seg
        return (cur, *accs)

    lax.fori_loop(0, _RPW // 16, group_step, (first, *([zero] * ncg)))
    pltpu.sync_copy(acc_v, out_hbm.at[wid])


_sc_pool = functools.partial(
    pl.kernel,
    mesh=plsc.VectorSubcoreMesh(core_axis_name="c", subcore_axis_name="s"),
    out_type=jax.ShapeDtypeStruct((_NW, _SEG, _D), jnp.float32),
    scratch_types=[
        pltpu.VMEM((_RPW, _D), jnp.float32),
        pltpu.VMEM((_RPW,), jnp.int32),
        pltpu.VMEM((_SEG, _D), jnp.float32),
        pltpu.SemaphoreType.DMA,
        pltpu.SemaphoreType.DMA,
        pltpu.SemaphoreType.DMA,
    ],
)(_sc_pool_body)


def _head_body(p_ref, cnt_ref, wl, bl, out_ref):
    parts = p_ref[...]
    sums = jnp.sum(parts, axis=0)
    cnt = jnp.maximum(cnt_ref[...], 1.0)
    pooled = [sums[i * _B:(i + 1) * _B, :] / cnt[i][:, None] for i in range(3)]
    cat = jnp.concatenate(pooled, axis=1)
    logits = _dot(cat, wl[...]) + bl[...]
    m = jnp.max(logits, axis=1, keepdims=True)
    e = jnp.exp(logits - m)
    out_ref[...] = e / jnp.sum(e, axis=1, keepdims=True)


def kernel(L0, L1, L2, X0, X1, X2, batch0, batch1, batch2,
           W01, b01, W02, b02, W03, b03,
           W11, b11, W12, b12, W13, b13,
           W21, b21, W22, b22, W23, b23,
           Wl, bl):
    del L0, L1, L2
    r = lambda v: v.reshape(1, -1)

    h_all, cnt = pl.pallas_call(
        _mlp_body,
        out_shape=(jax.ShapeDtypeStruct((_NTOT, _D), jnp.float32),
                   jax.ShapeDtypeStruct((3, _B), jnp.float32)),
    )(X0, X1, X2,
      r(batch0), r(batch1), r(batch2),
      W01, r(b01), W02, r(b02), W03, r(b03),
      W11, r(b11), W12, r(b12), W13, r(b13),
      W21, r(b21), W22, r(b22), W23, r(b23))

    idx = jnp.concatenate(
        [batch0, batch1 + _B, batch2 + 2 * _B]).astype(jnp.int32)
    zeros = jnp.zeros((_SEG, _D), jnp.float32)

    partials = _sc_pool(h_all, idx, zeros)

    out = pl.pallas_call(
        _head_body,
        out_shape=jax.ShapeDtypeStruct((_B, Wl.shape[0]), jnp.float32),
    )(partials, cnt, Wl, r(bl))
    return out

# --- scband reference (transcript-rebuilt; emitter-appended) ---
"""Pipeline reference for scband-snn-ebli-52518860095527 (READ-ONLY COPY).

The authoritative reference and input builder live on the scoring server;
editing this copy changes nothing except your own understanding.
"""

import jax, jax.numpy as jnp
import numpy as np

N0, N1, N2 = 2048, 4096, 2048
D_IN = 128
CONV = 32
OUT = 64
B = 32


def chebyshev(L, X, k):
    dp = [X]
    if k > 1:
        dp.append(L @ X)
    for i in range(2, k):
        dp.append(2.0 * (L @ dp[i - 1]) - dp[i - 2])
    return jnp.concatenate(dp[:k], axis=1)


def global_mean_pool(x, batch):
    s = jax.ops.segment_sum(x, batch, num_segments=B)
    cnt = jax.ops.segment_sum(jnp.ones((x.shape[0],), x.dtype), batch, num_segments=B)
    return s / jnp.clip(cnt, 1.0)[:, None]


def _lin(key, o, i):
    k1, k2 = jax.random.split(key)
    lim = 1.0 / np.sqrt(i)
    W = jax.random.uniform(k1, (o, i), jnp.float32, -lim, lim)
    b = jax.random.uniform(k2, (o,), jnp.float32, -lim, lim)
    return W, b


def setup_inputs(seed: int = 0):
    key = jax.random.key(seed)
    ks = jax.random.split(key, 12)
    inp = {}
    inp["L0"] = jax.random.normal(ks[0], (N0, N0), jnp.float32)
    inp["L1"] = jax.random.normal(ks[1], (N1, N1), jnp.float32)
    inp["L2"] = jax.random.normal(ks[2], (N2, N2), jnp.float32)
    inp["X0"] = jax.random.normal(ks[3], (N0, D_IN), jnp.float32)
    inp["X1"] = jax.random.normal(ks[4], (N1, D_IN), jnp.float32)
    inp["X2"] = jax.random.normal(ks[5], (N2, D_IN), jnp.float32)
    inp["batch0"] = jnp.sort(jax.random.randint(ks[6], (N0,), 0, B)).astype(jnp.int32)
    inp["batch1"] = jnp.sort(jax.random.randint(ks[7], (N1,), 0, B)).astype(jnp.int32)
    inp["batch2"] = jnp.sort(jax.random.randint(ks[8], (N2,), 0, B)).astype(jnp.int32)
    specs = [("W01", "b01", CONV, D_IN), ("W02", "b02", CONV, CONV), ("W03", "b03", OUT, CONV),
             ("W11", "b11", CONV, D_IN), ("W12", "b12", CONV, CONV), ("W13", "b13", OUT, CONV),
             ("W21", "b21", CONV, D_IN), ("W22", "b22", CONV, CONV), ("W23", "b23", OUT, CONV),
             ("Wl", "bl", OUT, 3 * OUT)]
    for i, (wn, bn, o, ii) in enumerate(specs):
        W, b = _lin(jax.random.fold_in(key, 100 + i), o, ii)
        inp[wn] = W
        inp[bn] = b
    return inp


def reference(L0, L1, L2, X0, X1, X2, batch0, batch1, batch2,
              W01, b01, W02, b02, W03, b03,
              W11, b11, W12, b12, W13, b13,
              W21, b21, W22, b22, W23, b23,
              Wl, bl):
    lrelu = lambda t: jax.nn.leaky_relu(t, 0.01)

    def branch(L, X, W1, b1, W2, b2, W3, b3, batch):
        h = chebyshev(L, X, 1) @ W1.T + b1
        h = chebyshev(L, lrelu(h), 1) @ W2.T + b2
        h = chebyshev(L, lrelu(h), 1) @ W3.T + b3
        return global_mean_pool(h, batch)

    out0 = branch(L0, X0, W01, b01, W02, b02, W03, b03, batch0)
    out1 = branch(L1, X1, W11, b11, W12, b12, W13, b13, batch1)
    out2 = branch(L2, X2, W21, b21, W22, b22, W23, b23, batch2)
    out = jnp.concatenate([out0, out1, out2], axis=1)
    return jax.nn.softmax(out @ Wl.T + bl, axis=1)

if __name__ == "__main__":
    import jax
    _d = setup_inputs()
    print(jax.jit(kernel)(*tuple(_d.values())))

</pallas_src>

<mosaic_0001>
#map = affine_map<(d0, d1) -> (0, 0)>
#map1 = affine_map<(d0, d1) -> (0)>
#map2 = affine_map<(d0, d1) -> (0, 0, 0)>
module attributes {stable_mosaic.version = 14 : i64} {
  func.func @_sc_pool_body(%arg0: i32, %arg1: i32, %arg2: memref<8192x64xf32, #tpu.memory_space<hbm>>, %arg3: memref<8192xi32, #tpu.memory_space<hbm>>, %arg4: memref<96x64xf32, #tpu.memory_space<hbm>>, %arg5: memref<32x96x64xf32, #tpu.memory_space<hbm>>, %arg6: memref<256x64xf32, #tpu.memory_space<vmem>>, %arg7: memref<256xi32, #tpu.memory_space<vmem>>, %arg8: memref<96x64xf32, #tpu.memory_space<vmem>>, %arg9: memref<!tpu.dma_semaphore, #tpu.memory_space<semaphore_mem>>, %arg10: memref<!tpu.dma_semaphore, #tpu.memory_space<semaphore_mem>>, %arg11: memref<!tpu.dma_semaphore, #tpu.memory_space<semaphore_mem>>) attributes {dimension_semantics = [#tpu.dimension_semantics<core_parallel>, #tpu.dimension_semantics<subcore_parallel>], iteration_bounds = array<i64: 2, 16>, scalar_prefetch = 0 : i64, scratch_operands = 6 : i64, tpu.core_type = #tpu.core_type<sc_vector_subcore>, window_params = [{transform_indices = #map}, {transform_indices = #map1}, {transform_indices = #map}, {transform_indices = #map2}]} {
    %mul3A = arith.constant 2 : i32
    %mul3A_0 = arith.muli %arg1, %mul3A : i32
    %add3A = arith.addi %mul3A_0, %arg0 : i32
    %mul3A_1 = arith.constant 256 : i32
    %mul3A_2 = arith.muli %add3A, %mul3A_1 : i32
    %dma_start3A = arith.constant 0 : i32
    %dma_start3A_3 = tpu.memref_slice %arg2[%mul3A_2, %dma_start3A] : memref<8192x64xf32, #tpu.memory_space<hbm>> -> memref<256x64xf32, #tpu.memory_space<hbm>>
    %dma_start3A_4 = arith.constant 0 : i32
    %dma_start3A_5 = tpu.memref_slice %arg2[%mul3A_2, %dma_start3A_4] : memref<8192x64xf32, #tpu.memory_space<hbm>> -> memref<256x64xf32, #tpu.memory_space<hbm>>
    tpu.enqueue_dma source(%dma_start3A_5 : memref<256x64xf32, #tpu.memory_space<hbm>>) target(%arg6 : memref<256x64xf32, #tpu.memory_space<vmem>>) target_semaphore(%arg9 : memref<!tpu.dma_semaphore, #tpu.memory_space<semaphore_mem>>)
    %dma_start3A_6 = tpu.memref_slice %arg3[%mul3A_2] : memref<8192xi32, #tpu.memory_space<hbm>> -> memref<256xi32, #tpu.memory_space<hbm>>
    %dma_start3A_7 = tpu.memref_slice %arg3[%mul3A_2] : memref<8192xi32, #tpu.memory_space<hbm>> -> memref<256xi32, #tpu.memory_space<hbm>>
    tpu.enqueue_dma source(%dma_start3A_7 : memref<256xi32, #tpu.memory_space<hbm>>) target(%arg7 : memref<256xi32, #tpu.memory_space<vmem>>) target_semaphore(%arg10 : memref<!tpu.dma_semaphore, #tpu.memory_space<semaphore_mem>>)
    tpu.enqueue_dma source(%arg4 : memref<96x64xf32, #tpu.memory_space<hbm>>) target(%arg8 : memref<96x64xf32, #tpu.memory_space<vmem>>) target_semaphore(%arg11 : memref<!tpu.dma_semaphore, #tpu.memory_space<semaphore_mem>>)
    %dma_wait3A = arith.constant 0 : i32
    %dma_wait3A_8 = tpu.memref_slice %arg2[%mul3A_2, %dma_wait3A] : memref<8192x64xf32, #tpu.memory_space<hbm>> -> memref<256x64xf32, #tpu.memory_space<hbm>>
    %dma_wait3A_9 = arith.constant 0 : i32
    %dma_wait3A_10 = tpu.memref_slice %arg2[%mul3A_2, %dma_wait3A_9] : memref<8192x64xf32, #tpu.memory_space<hbm>> -> memref<256x64xf32, #tpu.memory_space<hbm>>
    tpu.wait_dma2 semaphore(%arg9 : memref<!tpu.dma_semaphore, #tpu.memory_space<semaphore_mem>>) src(%dma_wait3A_10 : memref<256x64xf32, #tpu.memory_space<hbm>>) dst(%arg6 : memref<256x64xf32, #tpu.memory_space<vmem>>)
    %dma_wait3A_11 = tpu.memref_slice %arg3[%mul3A_2] : memref<8192xi32, #tpu.memory_space<hbm>> -> memref<256xi32, #tpu.memory_space<hbm>>
    %dma_wait3A_12 = tpu.memref_slice %arg3[%mul3A_2] : memref<8192xi32, #tpu.memory_space<hbm>> -> memref<256xi32, #tpu.memory_space<hbm>>
    tpu.wait_dma2 semaphore(%arg10 : memref<!tpu.dma_semaphore, #tpu.memory_space<semaphore_mem>>) src(%dma_wait3A_12 : memref<256xi32, #tpu.memory_space<hbm>>) dst(%arg7 : memref<256xi32, #tpu.memory_space<vmem>>)
    tpu.wait_dma2 semaphore(%arg11 : memref<!tpu.dma_semaphore, #tpu.memory_space<semaphore_mem>>) src(%arg4 : memref<96x64xf32, #tpu.memory_space<hbm>>) dst(%arg8 : memref<96x64xf32, #tpu.memory_space<vmem>>)
    %get3A = arith.constant 0 : index
    %get3A_13 = tpu.vector_load %arg7[%get3A] {strides = array<i32>} : memref<256xi32, #tpu.memory_space<vmem>>, vector<16xi32>,
    %get3A_14 = vector.shape_cast %get3A_13 : vector<16xi32> to vector<16xi32>
    %slice3A = vector.extract_strided_slice %get3A_14 {offsets = [0], sizes = [1], strides = [1]} : vector<16xi32> to vector<1xi32>
    %squeeze3A = vector.extract %slice3A[0] : i32 from vector<1xi32>
    %broadcast_in_dim3A = arith.constant 0.000000e+00 : f32
    %broadcast_in_dim3A_15 = vector.broadcast %broadcast_in_dim3A : f32 to vector<16xf32>
    %scan3A = arith.constant 0 : i32
    %scan3A_16 = arith.constant 16 : i32
    %scan3A_17 = arith.addi %scan3A, %scan3A_16 : i32
    %scan3A_18 = arith.constant 1 : i32
    %scan3A_19:5 = scf.for %scan3A_21 = %scan3A to %scan3A_17 step %scan3A_18 iter_args(%scan3A_22 = %squeeze3A, %scan3A_23 = %broadcast_in_dim3A_15, %scan3A_24 = %broadcast_in_dim3A_15, %scan3A_25 = %broadcast_in_dim3A_15, %scan3A_26 = %broadcast_in_dim3A_15) -> (i32, vector<16xf32>, vector<16xf32>, vector<16xf32>, vector<16xf32>)  : i32 {
      %mul3A_27 = arith.constant 16 : i32
      %mul3A_28 = arith.muli %scan3A_21, %mul3A_27 : i32
      %get3A_29 = arith.index_cast %mul3A_28 : i32 to index
      %get3A_30 = tpu.vector_load %arg7[%get3A_29] {strides = array<i32>} : memref<256xi32, #tpu.memory_space<vmem>>, vector<16xi32>,
      %get3A_31 = vector.shape_cast %get3A_30 : vector<16xi32> to vector<16xi32>
      %slice3A_32 = vector.extract_strided_slice %get3A_31 {offsets = [0], sizes = [1], strides = [1]} : vector<16xi32> to vector<1xi32>
      %squeeze3A_33 = vector.extract %slice3A_32[0] : i32 from vector<1xi32>
      %eq3A = arith.cmpi eq, %squeeze3A_33, %scan3A_22 : i32
      %convert_element_type3A = arith.extui %eq3A : i1 to i32
      %convert_element_type3A_34 = arith.sitofp %convert_element_type3A : i32 to f32
      %mul3A_35 = vector.broadcast %convert_element_type3A_34 : f32 to vector<16xf32>
      %mul3A_36 = arith.mulf %scan3A_23, %mul3A_35 : vector<16xf32>
      %add3A_37 = arith.constant 0 : i32
      %add3A_38 = arith.addi %mul3A_28, %add3A_37 : i32
      %get3A_39 = arith.index_cast %add3A_38 : i32 to index
      %get3A_40 = arith.constant 0 : index
      %get3A_41 = tpu.vector_load %arg6[%get3A_39, %get3A_40] {strides = array<i32>} : memref<256x64xf32, #tpu.memory_space<vmem>>, vector<1x16xf32>,
      %get3A_42 = vector.shape_cast %get3A_41 : vector<1x16xf32> to vector<16xf32>
      %add3A_43 = arith.addf %mul3A_36, %get3A_42 : vector<16xf32>
      %mul3A_44 = vector.broadcast %convert_element_type3A_34 : f32 to vector<16xf32>
      %mul3A_45 = arith.mulf %scan3A_24, %mul3A_44 : vector<16xf32>
      %add3A_46 = arith.constant 0 : i32
      %add3A_47 = arith.addi %mul3A_28, %add3A_46 : i32
      %get3A_48 = arith.index_cast %add3A_47 : i32 to index
      %get3A_49 = arith.constant 16 : index
      %get3A_50 = tpu.vector_load %arg6[%get3A_48, %get3A_49] {strides = array<i32>} : memref<256x64xf32, #tpu.memory_space<vmem>>, vector<1x16xf32>,
      %get3A_51 = vector.shape_cast %get3A_50 : vector<1x16xf32> to vector<16xf32>
      %add3A_52 = arith.addf %mul3A_45, %get3A_51 : vector<16xf32>
      %mul3A_53 = vector.broadcast %convert_element_type3A_34 : f32 to vector<16xf32>
      %mul3A_54 = arith.mulf %scan3A_25, %mul3A_53 : vector<16xf32>
      %add3A_55 = arith.constant 0 : i32
      %add3A_56 = arith.addi %mul3A_28, %add3A_55 : i32
      %get3A_57 = arith.index_cast %add3A_56 : i32 to index
      %get3A_58 = arith.constant 32 : index
      %get3A_59 = tpu.vector_load %arg6[%get3A_57, %get3A_58] {strides = array<i32>} : memref<256x64xf32, #tpu.memory_space<vmem>>, vector<1x16xf32>,
      %get3A_60 = vector.shape_cast %get3A_59 : vector<1x16xf32> to vector<16xf32>
      %add3A_61 = arith.addf %mul3A_54, %get3A_60 : vector<16xf32>
      %mul3A_62 = vector.broadcast %convert_element_type3A_34 : f32 to vector<16xf32>
      %mul3A_63 = arith.mulf %scan3A_26, %mul3A_62 : vector<16xf32>
      %add3A_64 = arith.constant 0 : i32
      %add3A_65 = arith.addi %mul3A_28, %add3A_64 : i32
      %get3A_66 = arith.index_cast %add3A_65 : i32 to index
      %get3A_67 = arith.constant 48 : index
      %get3A_68 = tpu.vector_load %arg6[%get3A_66, %get3A_67] {strides = array<i32>} : memref<256x64xf32, #tpu.memory_space<vmem>>, vector<1x16xf32>,
      %get3A_69 = vector.shape_cast %get3A_68 : vector<1x16xf32> to vector<16xf32>
      %add3A_70 = arith.addf %mul3A_63, %get3A_69 : vector<16xf32>
      %swap3A = arith.index_cast %squeeze3A_33 : i32 to index
      %swap3A_71 = arith.constant 0 : index
      %swap3A_72 = tpu.vector_load %arg8[%swap3A, %swap3A_71] {strides = array<i32>} : memref<96x64xf32, #tpu.memory_space<vmem>>, vector<1x16xf32>,
      %swap3A_73 = vector.shape_cast %swap3A_72 : vector<1x16xf32> to vector<16xf32>
      %swap3A_74 = vector.shape_cast %add3A_43 : vector<16xf32> to vector<1x16xf32>
      tpu.vector_store %arg8[%swap3A, %swap3A_71], %swap3A_74 {strides = array<i32>} : memref<96x64xf32, #tpu.memory_space<vmem>>, vector<1x16xf32>,
      %swap3A_75 = arith.index_cast %squeeze3A_33 : i32 to index
      %swap3A_76 = arith.constant 16 : index
      %swap3A_77 = tpu.vector_load %arg8[%swap3A_75, %swap3A_76] {strides = array<i32>} : memref<96x64xf32, #tpu.memory_space<vmem>>, vector<1x16xf32>,
      %swap3A_78 = vector.shape_cast %swap3A_77 : vector<1x16xf32> to vector<16xf32>
      %swap3A_79 = vector.shape_cast %add3A_52 : vector<16xf32> to vector<1x16xf32>
      tpu.vector_store %arg8[%swap3A_75, %swap3A_76], %swap3A_79 {strides = array<i32>} : memref<96x64xf32, #tpu.memory_space<vmem>>, vector<1x16xf32>,
      %swap3A_80 = arith.index_cast %squeeze3A_33 : i32 to index
      %swap3A_81 = arith.constant 32 : index
      %swap3A_82 = tpu.vector_load %arg8[%swap3A_80, %swap3A_81] {strides = array<i32>} : memref<96x64xf32, #tpu.memory_space<vmem>>, vector<1x16xf32>,
      %swap3A_83 = vector.shape_cast %swap3A_82 : vector<1x16xf32> to vector<16xf32>
      %swap3A_84 = vector.shape_cast %add3A_61 : vector<16xf32> to vector<1x16xf32>
      tpu.vector_store %arg8[%swap3A_80, %swap3A_81], %swap3A_84 {strides = array<i32>} : memref<96x64xf32, #tpu.memory_space<vmem>>, vector<1x16xf32>,
      %swap3A_85 = arith.index_cast %squeeze3A_33 : i32 to index
      %swap3A_86 = arith.constant 48 : index
      %swap3A_87 = tpu.vector_load %arg8[%swap3A_85, %swap3A_86] {strides = array<i32>} : memref<96x64xf32, #tpu.memory_space<vmem>>, vector<1x16xf32>,
      %swap3A_88 = vector.shape_cast %swap3A_87 : vector<1x16xf32> to vector<16xf32>
      %swap3A_89 = vector.shape_cast %add3A_70 : vector<16xf32> to vector<1x16xf32>
      tpu.vector_store %arg8[%swap3A_85, %swap3A_86], %swap3A_89 {strides = array<i32>} : memref<96x64xf32, #tpu.memory_space<vmem>>, vector<1x16xf32>,
      %slice3A_90 = vector.extract_strided_slice %get3A_31 {offsets = [1], sizes = [1], strides = [1]} : vector<16xi32> to vector<1xi32>
      %squeeze3A_91 = vector.extract %slice3A_90[0] : i32 from vector<1xi32>
      %eq3A_92 = arith.cmpi eq, %squeeze3A_91, %squeeze3A_33 : i32
      %convert_element_type3A_93 = arith.extui %eq3A_92 : i1 to i32
      %convert_element_type3A_94 = arith.sitofp %convert_element_type3A_93 : i32 to f32
      %mul3A_95 = vector.broadcast %convert_element_type3A_94 : f32 to vector<16xf32>
      %mul3A_96 = arith.mulf %add3A_43, %mul3A_95 : vector<16xf32>
      %add3A_97 = arith.constant 1 : i32
      %add3A_98 = arith.addi %mul3A_28, %add3A_97 : i32
      %get3A_99 = arith.index_cast %add3A_98 : i32 to index
      %get3A_100 = arith.constant 0 : index
      %get3A_101 = tpu.vector_load %arg6[%get3A_99, %get3A_100] {strides = array<i32>} : memref<256x64xf32, #tpu.memory_space<vmem>>, vector<1x16xf32>,
      %get3A_102 = vector.shape_cast %get3A_101 : vector<1x16xf32> to vector<16xf32>
      %add3A_103 = arith.addf %mul3A_96, %get3A_102 : vector<16xf32>
      %mul3A_104 = vector.broadcast %convert_element_type3A_94 : f32 to vector<16xf32>
      %mul3A_105 = arith.mulf %add3A_52, %mul3A_104 : vector<16xf32>
      %add3A_106 = arith.constant 1 : i32
      %add3A_107 = arith.addi %mul3A_28, %add3A_106 : i32
      %get3A_108 = arith.index_cast %add3A_107 : i32 to index
      %get3A_109 = arith.constant 16 : index
      %get3A_110 = tpu.vector_load %arg6[%get3A_108, %get3A_109] {strides = array<i32>} : memref<256x64xf32, #tpu.memory_space<vmem>>, vector<1x16xf32>,
      %get3A_111 = vector.shape_cast %get3A_110 : vector<1x16xf32> to vector<16xf32>
      %add3A_112 = arith.addf %mul3A_105, %get3A_111 : vector<16xf32>
      %mul3A_113 = vector.broadcast %convert_element_type3A_94 : f32 to vector<16xf32>
      %mul3A_114 = arith.mulf %add3A_61, %mul3A_113 : vector<16xf32>
      %add3A_115 = arith.constant 1 : i32
      %add3A_116 = arith.addi %mul3A_28, %add3A_115 : i32
      %get3A_117 = arith.index_cast %add3A_116 : i32 to index
      %get3A_118 = arith.constant 32 : index
      %get3A_119 = tpu.vector_load %arg6[%get3A_117, %get3A_118] {strides = array<i32>} : memref<256x64xf32, #tpu.memory_space<vmem>>, vector<1x16xf32>,
      %get3A_120 = vector.shape_cast %get3A_119 : vector<1x16xf32> to vector<16xf32>
      %add3A_121 = arith.addf %mul3A_114, %get3A_120 : vector<16xf32>
      %mul3A_122 = vector.broadcast %convert_element_type3A_94 : f32 to vector<16xf32>
      %mul3A_123 = arith.mulf %add3A_70, %mul3A_122 : vector<16xf32>
      %add3A_124 = arith.constant 1 : i32
      %add3A_125 = arith.addi %mul3A_28, %add3A_124 : i32
      %get3A_126 = arith.index_cast %add3A_125 : i32 to index
      %get3A_127 = arith.constant 48 : index
      %get3A_128 = tpu.vector_load %arg6[%get3A_126, %get3A_127] {strides = array<i32>} : memref<256x64xf32, #tpu.memory_space<vmem>>, vector<1x16xf32>,
      %get3A_129 = vector.shape_cast %get3A_128 : vector<1x16xf32> to vector<16xf32>
      %add3A_130 = arith.addf %mul3A_123, %get3A_129 : vector<16xf32>
      %swap3A_131 = arith.index_cast %squeeze3A_91 : i32 to index
      %swap3A_132 = arith.constant 0 : index
      %swap3A_133 = tpu.vector_load %arg8[%swap3A_131, %swap3A_132] {strides = array<i32>} : memref<96x64xf32, #tpu.memory_space<vmem>>, vector<1x16xf32>,
      %swap3A_134 = vector.shape_cast %swap3A_133 : vector<1x16xf32> to vector<16xf32>
      %swap3A_135 = vector.shape_cast %add3A_103 : vector<16xf32> to vector<1x16xf32>
      tpu.vector_store %arg8[%swap3A_131, %swap3A_132], %swap3A_135 {strides = array<i32>} : memref<96x64xf32, #tpu.memory_space<vmem>>, vector<1x16xf32>,
      %swap3A_136 = arith.index_cast %squeeze3A_91 : i32 to index
      %swap3A_137 = arith.constant 16 : index
      %swap3A_138 = tpu.vector_load %arg8[%swap3A_136, %swap3A_137] {strides = array<i32>} : memref<96x64xf32, #tpu.memory_space<vmem>>, vector<1x16xf32>,
      %swap3A_139 = vector.shape_cast %swap3A_138 : vector<1x16xf32> to vector<16xf32>
      %swap3A_140 = vector.shape_cast %add3A_112 : vector<16xf32> to vector<1x16xf32>
      tpu.vector_store %arg8[%swap3A_136, %swap3A_137], %swap3A_140 {strides = array<i32>} : memref<96x64xf32, #tpu.memory_space<vmem>>, vector<1x16xf32>,
      %swap3A_141 = arith.index_cast %squeeze3A_91 : i32 to index
      %swap3A_142 = arith.constant 32 : index
      %swap3A_143 = tpu.vector_load %arg8[%swap3A_141, %swap3A_142] {strides = array<i32>} : memref<96x64xf32, #tpu.memory_space<vmem>>, vector<1x16xf32>,
      %swap3A_144 = vector.shape_cast %swap3A_143 : vector<1x16xf32> to vector<16xf32>
      %swap3A_145 = vector.shape_cast %add3A_121 : vector<16xf32> to vector<1x16xf32>
      tpu.vector_store %arg8[%swap3A_141, %swap3A_142], %swap3A_145 {strides = array<i32>} : memref<96x64xf32, #tpu.memory_space<vmem>>, vector<1x16xf32>,
      %swap3A_146 = arith.index_cast %squeeze3A_91 : i32 to index
      %swap3A_147 = arith.constant 48 : index
      %swap3A_148 = tpu.vector_load %arg8[%swap3A_146, %swap3A_147] {strides = array<i32>} : memref<96x64xf32, #tpu.memory_space<vmem>>, vector<1x16xf32>,
      %swap3A_149 = vector.shape_cast %swap3A_148 : vector<1x16xf32> to vector<16xf32>
      %swap3A_150 = vector.shape_cast %add3A_130 : vector<16xf32> to vector<1x16xf32>
      tpu.vector_store %arg8[%swap3A_146, %swap3A_147], %swap3A_150 {strides = array<i32>} : memref<96x64xf32, #tpu.memory_space<vmem>>, vector<1x16xf32>,
      %slice3A_151 = vector.extract_strided_slice %get3A_31 {offsets = [2], sizes = [1], strides = [1]} : vector<16xi32> to vector<1xi32>
      %squeeze3A_152 = vector.extract %slice3A_151[0] : i32 from vector<1xi32>
      %eq3A_153 = arith.cmpi eq, %squeeze3A_152, %squeeze3A_91 : i32
      %convert_element_type3A_154 = arith.extui %eq3A_153 : i1 to i32
      %convert_element_type3A_155 = arith.sitofp %convert_element_type3A_154 : i32 to f32
      %mul3A_156 = vector.broadcast %convert_element_type3A_155 : f32 to vector<16xf32>
      %mul3A_157 = arith.mulf %add3A_103, %mul3A_156 : vector<16xf32>
      %add3A_158 = arith.constant 2 : i32
      %add3A_159 = arith.addi %mul3A_28, %add3A_158 : i32
      %get3A_160 = arith.index_cast %add3A_159 : i32 to index
      %get3A_161 = arith.constant 0 : index
      %get3A_162 = tpu.vector_load %arg6[%get3A_160, %get3A_161] {strides = array<i32>} : memref<256x64xf32, #tpu.memory_space<vmem>>, vector<1x16xf32>,
      %get3A_163 = vector.shape_cast %get3A_162 : vector<1x16xf32> to vector<16xf32>
      %add3A_164 = arith.addf %mul3A_157, %get3A_163 : vector<16xf32>
      %mul3A_165 = vector.broadcast %convert_element_type3A_155 : f32 to vector<16xf32>
      %mul3A_166 = arith.mulf %add3A_112, %mul3A_165 : vector<16xf32>
      %add3A_167 = arith.constant 2 : i32
      %add3A_168 = arith.addi %mul3A_28, %add3A_167 : i32
      %get3A_169 = arith.index_cast %add3A_168 : i32 to index
      %get3A_170 = arith.constant 16 : index
      %get3A_171 = tpu.vector_load %arg6[%get3A_169, %get3A_170] {strides = array<i32>} : memref<256x64xf32, #tpu.memory_space<vmem>>, vector<1x16xf32>,
      %get3A_172 = vector.shape_cast %get3A_171 : vector<1x16xf32> to vector<16xf32>
      %add3A_173 = arith.addf %mul3A_166, %get3A_172 : vector<16xf32>
      %mul3A_174 = vector.broadcast %convert_element_type3A_155 : f32 to vector<16xf32>
      %mul3A_175 = arith.mulf %add3A_121, %mul3A_174 : vector<16xf32>
      %add3A_176 = arith.constant 2 : i32
      %add3A_177 = arith.addi %mul3A_28, %add3A_176 : i32
      %get3A_178 = arith.index_cast %add3A_177 : i32 to index
      %get3A_179 = arith.constant 32 : index
      %get3A_180 = tpu.vector_load %arg6[%get3A_178, %get3A_179] {strides = array<i32>} : memref<256x64xf32, #tpu.memory_space<vmem>>, vector<1x16xf32>,
      %get3A_181 = vector.shape_cast %get3A_180 : vector<1x16xf32> to vector<16xf32>
      %add3A_182 = arith.addf %mul3A_175, %get3A_181 : vector<16xf32>
      %mul3A_183 = vector.broadcast %convert_element_type3A_155 : f32 to vector<16xf32>
      %mul3A_184 = arith.mulf %add3A_130, %mul3A_183 : vector<16xf32>
      %add3A_185 = arith.constant 2 : i32
      %add3A_186 = arith.addi %mul3A_28, %add3A_185 : i32
      %get3A_187 = arith.index_cast %add3A_186 : i32 to index
      %get3A_188 = arith.constant 48 : index
      %get3A_189 = tpu.vector_load %arg6[%get3A_187, %get3A_188] {strides = array<i32>} : memref<256x64xf32, #tpu.memory_space<vmem>>, vector<1x16xf32>,
      %get3A_190 = vector.shape_cast %get3A_189 : vector<1x16xf32> to vector<16xf32>
      %add3A_191 = arith.addf %mul3A_184, %get3A_190 : vector<16xf32>
      %swap3A_192 = arith.index_cast %squeeze3A_152 : i32 to index
      %swap3A_193 = arith.constant 0 : index
      %swap3A_194 = tpu.vector_load %arg8[%swap3A_192, %swap3A_193] {strides = array<i32>} : memref<96x64xf32, #tpu.memory_space<vmem>>, vector<1x16xf32>,
      %swap3A_195 = vector.shape_cast %swap3A_194 : vector<1x16xf32> to vector<16xf32>
      %swap3A_196 = vector.shape_cast %add3A_164 : vector<16xf32> to vector<1x16xf32>
      tpu.vector_store %arg8[%swap3A_192, %swap3A_193], %swap3A_196 {strides = array<i32>} : memref<96x64xf32, #tpu.memory_space<vmem>>, vector<1x16xf32>,
      %swap3A_197 = arith.index_cast %squeeze3A_152 : i32 to index
      %swap3A_198 = arith.constant 16 : index
      %swap3A_199 = tpu.vector_load %arg8[%swap3A_197, %swap3A_198] {strides = array<i32>} : memref<96x64xf32, #tpu.memory_space<vmem>>, vector<1x16xf32>,
      %swap3A_200 = vector.shape_cast %swap3A_199 : vector<1x16xf32> to vector<16xf32>
      %swap3A_201 = vector.shape_cast %add3A_173 : vector<16xf32> to vector<1x16xf32>
      tpu.vector_store %arg8[%swap3A_197, %swap3A_198], %swap3A_201 {strides = array<i32>} : memref<96x64xf32, #tpu.memory_space<vmem>>, vector<1x16xf32>,
      %swap3A_202 = arith.index_cast %squeeze3A_152 : i32 to index
      %swap3A_203 = arith.constant 32 : index
      %swap3A_204 = tpu.vector_load %arg8[%swap3A_202, %swap3A_203] {strides = array<i32>} : memref<96x64xf32, #tpu.memory_space<vmem>>, vector<1x16xf32>,
      %swap3A_205 = vector.shape_cast %swap3A_204 : vector<1x16xf32> to vector<16xf32>
      %swap3A_206 = vector.shape_cast %add3A_182 : vector<16xf32> to vector<1x16xf32>
      tpu.vector_store %arg8[%swap3A_202, %swap3A_203], %swap3A_206 {strides = array<i32>} : memref<96x64xf32, #tpu.memory_space<vmem>>, vector<1x16xf32>,
      %swap3A_207 = arith.index_cast %squeeze3A_152 : i32 to index
      %swap3A_208 = arith.constant 48 : index
      %swap3A_209 = tpu.vector_load %arg8[%swap3A_207, %swap3A_208] {strides = array<i32>} : memref<96x64xf32, #tpu.memory_space<vmem>>, vector<1x16xf32>,
      %swap3A_210 = vector.shape_cast %swap3A_209 : vector<1x16xf32> to vector<16xf32>
      %swap3A_211 = vector.shape_cast %add3A_191 : vector<16xf32> to vector<1x16xf32>
      tpu.vector_store %arg8[%swap3A_207, %swap3A_208], %swap3A_211 {strides = array<i32>} : memref<96x64xf32, #tpu.memory_space<vmem>>, vector<1x16xf32>,
      %slice3A_212 = vector.extract_strided_slice %get3A_31 {offsets = [3], sizes = [1], strides = [1]} : vector<16xi32> to vector<1xi32>
      %squeeze3A_213 = vector.extract %slice3A_212[0] : i32 from vector<1xi32>
      %eq3A_214 = arith.cmpi eq, %squeeze3A_213, %squeeze3A_152 : i32
      %convert_element_type3A_215 = arith.extui %eq3A_214 : i1 to i32
      %convert_element_type3A_216 = arith.sitofp %convert_element_type3A_215 : i32 to f32
      %mul3A_217 = vector.broadcast %convert_element_type3A_216 : f32 to vector<16xf32>
      %mul3A_218 = arith.mulf %add3A_164, %mul3A_217 : vector<16xf32>
      %add3A_219 = arith.constant 3 : i32
      %add3A_220 = arith.addi %mul3A_28, %add3A_219 : i32
      %get3A_221 = arith.index_cast %add3A_220 : i32 to index
      %get3A_222 = arith.constant 0 : index
      %get3A_223 = tpu.vector_load %arg6[%get3A_221, %get3A_222] {strides = array<i32>} : memref<256x64xf32, #tpu.memory_space<vmem>>, vector<1x16xf32>,
      %get3A_224 = vector.shape_cast %get3A_223 : vector<1x16xf32> to vector<16xf32>
      %add3A_225 = arith.addf %mul3A_218, %get3A_224 : vector<16xf32>
      %mul3A_226 = vector.broadcast %convert_element_type3A_216 : f32 to vector<16xf32>
      %mul3A_227 = arith.mulf %add3A_173, %mul3A_226 : vector<16xf32>
      %add3A_228 = arith.constant 3 : i32
      %add3A_229 = arith.addi %mul3A_28, %add3A_228 : i32
      %get3A_230 = arith.index_cast %add3A_229 : i32 to index
      %get3A_231 = arith.constant 16 : index
      %get3A_232 = tpu.vector_load %arg6[%get3A_230, %get3A_231] {strides = array<i32>} : memref<256x64xf32, #tpu.memory_space<vmem>>, vector<1x16xf32>,
      %get3A_233 = vector.shape_cast %get3A_232 : vector<1x16xf32> to vector<16xf32>
      %add3A_234 = arith.addf %mul3A_227, %get3A_233 : vector<16xf32>
      %mul3A_235 = vector.broadcast %convert_element_type3A_216 : f32 to vector<16xf32>
      %mul3A_236 = arith.mulf %add3A_182, %mul3A_235 : vector<16xf32>
      %add3A_237 = arith.constant 3 : i32
      %add3A_238 = arith.addi %mul3A_28, %add3A_237 : i32
      %get3A_239 = arith.index_cast %add3A_238 : i32 to index
      %get3A_240 = arith.constant 32 : index
      %get3A_241 = tpu.vector_load %arg6[%get3A_239, %get3A_240] {strides = array<i32>} : memref<256x64xf32, #tpu.memory_space<vmem>>, vector<1x16xf32>,
      %get3A_242 = vector.shape_cast %get3A_241 : vector<1x16xf32> to vector<16xf32>
      %add3A_243 = arith.addf %mul3A_236, %get3A_242 : vector<16xf32>
      %mul3A_244 = vector.broadcast %convert_element_type3A_216 : f32 to vector<16xf32>
      %mul3A_245 = arith.mulf %add3A_191, %mul3A_244 : vector<16xf32>
      %add3A_246 = arith.constant 3 : i32
      %add3A_247 = arith.addi %mul3A_28, %add3A_246 : i32
      %get3A_248 = arith.index_cast %add3A_247 : i32 to index
      %get3A_249 = arith.constant 48 : index
      %get3A_250 = tpu.vector_load %arg6[%get3A_248, %get3A_249] {strides = array<i32>} : memref<256x64xf32, #tpu.memory_space<vmem>>, vector<1x16xf32>,
      %get3A_251 = vector.shape_cast %get3A_250 : vector<1x16xf32> to vector<16xf32>
      %add3A_252 = arith.addf %mul3A_245, %get3A_251 : vector<16xf32>
      %swap3A_253 = arith.index_cast %squeeze3A_213 : i32 to index
      %swap3A_254 = arith.constant 0 : index
      %swap3A_255 = tpu.vector_load %arg8[%swap3A_253, %swap3A_254] {strides = array<i32>} : memref<96x64xf32, #tpu.memory_space<vmem>>, vector<1x16xf32>,
      %swap3A_256 = vector.shape_cast %swap3A_255 : vector<1x16xf32> to vector<16xf32>
      %swap3A_257 = vector.shape_cast %add3A_225 : vector<16xf32> to vector<1x16xf32>
      tpu.vector_store %arg8[%swap3A_253, %swap3A_254], %swap3A_257 {strides = array<i32>} : memref<96x64xf32, #tpu.memory_space<vmem>>, vector<1x16xf32>,
      %swap3A_258 = arith.index_cast %squeeze3A_213 : i32 to index
      %swap3A_259 = arith.constant 16 : index
      %swap3A_260 = tpu.vector_load %arg8[%swap3A_258, %swap3A_259] {strides = array<i32>} : memref<96x64xf32, #tpu.memory_space<vmem>>, vector<1x16xf32>,
      %swap3A_261 = vector.shape_cast %swap3A_260 : vector<1x16xf32> to vector<16xf32>
      %swap3A_262 = vector.shape_cast %add3A_234 : vector<16xf32> to vector<1x16xf32>
      tpu.vector_store %arg8[%swap3A_258, %swap3A_259], %swap3A_262 {strides = array<i32>} : memref<96x64xf32, #tpu.memory_space<vmem>>, vector<1x16xf32>,
      %swap3A_263 = arith.index_cast %squeeze3A_213 : i32 to index
      %swap3A_264 = arith.constant 32 : index
      %swap3A_265 = tpu.vector_load %arg8[%swap3A_263, %swap3A_264] {strides = array<i32>} : memref<96x64xf32, #tpu.memory_space<vmem>>, vector<1x16xf32>,
      %swap3A_266 = vector.shape_cast %swap3A_265 : vector<1x16xf32> to vector<16xf32>
      %swap3A_267 = vector.shape_cast %add3A_243 : vector<16xf32> to vector<1x16xf32>
      tpu.vector_store %arg8[%swap3A_263, %swap3A_264], %swap3A_267 {strides = array<i32>} : memref<96x64xf32, #tpu.memory_space<vmem>>, vector<1x16xf32>,
      %swap3A_268 = arith.index_cast %squeeze3A_213 : i32 to index
      %swap3A_269 = arith.constant 48 : index
      %swap3A_270 = tpu.vector_load %arg8[%swap3A_268, %swap3A_269] {strides = array<i32>} : memref<96x64xf32, #tpu.memory_space<vmem>>, vector<1x16xf32>,
      %swap3A_271 = vector.shape_cast %swap3A_270 : vector<1x16xf32> to vector<16xf32>
      %swap3A_272 = vector.shape_cast %add3A_252 : vector<16xf32> to vector<1x16xf32>
      tpu.vector_store %arg8[%swap3A_268, %swap3A_269], %swap3A_272 {strides = array<i32>} : memref<96x64xf32, #tpu.memory_space<vmem>>, vector<1x16xf32>,
      %slice3A_273 = vector.extract_strided_slice %get3A_31 {offsets = [4], sizes = [1], strides = [1]} : vector<16xi32> to vector<1xi32>
      %squeeze3A_274 = vector.extract %slice3A_273[0] : i32 from vector<1xi32>
      %eq3A_275 = arith.cmpi eq, %squeeze3A_274, %squeeze3A_213 : i32
      %convert_element_type3A_276 = arith.extui %eq3A_275 : i1 to i32
      %convert_element_type3A_277 = arith.sitofp %convert_element_type3A_276 : i32 to f32
      %mul3A_278 = vector.broadcast %convert_element_type3A_277 : f32 to vector<16xf32>
      %mul3A_279 = arith.mulf %add3A_225, %mul3A_278 : vector<16xf32>
      %add3A_280 = arith.constant 4 : i32
      %add3A_281 = arith.addi %mul3A_28, %add3A_280 : i32
      %get3A_282 = arith.index_cast %add3A_281 : i32 to index
      %get3A_283 = arith.constant 0 : index
      %get3A_284 = tpu.vector_load %arg6[%get3A_282, %get3A_283] {strides = array<i32>} : memref<256x64xf32, #tpu.memory_space<vmem>>, vector<1x16xf32>,
      %get3A_285 = vector.shape_cast %get3A_284 : vector<1x16xf32> to vector<16xf32>
      %add3A_286 = arith.addf %mul3A_279, %get3A_285 : vector<16xf32>
      %mul3A_287 = vector.broadcast %convert_element_type3A_277 : f32 to vector<16xf32>
      %mul3A_288 = arith.mulf %add3A_234, %mul3A_287 : vector<16xf32>
      %add3A_289 = arith.constant 4 : i32
      %add3A_290 = arith.addi %mul3A_28, %add3A_289 : i32
      %get3A_291 = arith.index_cast %add3A_290 : i32 to index
      %get3A_292 = arith.constant 16 : index
      %get3A_293 = tpu.vector_load %arg6[%get3A_291, %get3A_292] {strides = array<i32>} : memref<256x64xf32, #tpu.memory_space<vmem>>, vector<1x16xf32>,
      %get3A_294 = vector.shape_cast %get3A_293 : vector<1x16xf32> to vector<16xf32>
      %add3A_295 = arith.addf %mul3A_288, %get3A_294 : vector<16xf32>
      %mul3A_296 = vector.broadcast %convert_element_type3A_277 : f32 to vector<16xf32>
      %mul3A_297 = arith.mulf %add3A_243, %mul3A_296 : vector<16xf32>
      %add3A_298 = arith.constant 4 : i32
      %add3A_299 = arith.addi %mul3A_28, %add3A_298 : i32
      %get3A_300 = arith.index_cast %add3A_299 : i32 to index
      %get3A_301 = arith.constant 32 : index
      %get3A_302 = tpu.vector_load %arg6[%get3A_300, %get3A_301] {strides = array<i32>} : memref<256x64xf32, #tpu.memory_space<vmem>>, vector<1x16xf32>,
      %get3A_303 = vector.shape_cast %get3A_302 : vector<1x16xf32> to vector<16xf32>
      %add3A_304 = arith.addf %mul3A_297, %get3A_303 : vector<16xf32>
      %mul3A_305 = vector.broadcast %convert_element_type3A_277 : f32 to vector<16xf32>
      %mul3A_306 = arith.mulf %add3A_252, %mul3A_305 : vector<16xf32>
      %add3A_307 = arith.constant 4 : i32
      %add3A_308 = arith.addi %mul3A_28, %add3A_307 : i32
      %get3A_309 = arith.index_cast %add3A_308 : i32 to index
      %get3A_310 = arith.constant 48 : index
      %get3A_311 = tpu.vector_load %arg6[%get3A_309, %get3A_310] {strides = array<i32>} : memref<256x64xf32, #tpu.memory_space<vmem>>, vector<1x16xf32>,
      %get3A_312 = vector.shape_cast %get3A_311 : vector<1x16xf32> to vector<16xf32>
      %add3A_313 = arith.addf %mul3A_306, %get3A_312 : vector<16xf32>
      %swap3A_314 = arith.index_cast %squeeze3A_274 : i32 to index
      %swap3A_315 = arith.constant 0 : index
      %swap3A_316 = tpu.vector_load %arg8[%swap3A_314, %swap3A_315] {strides = array<i32>} : memref<96x64xf32, #tpu.memory_space<vmem>>, vector<1x16xf32>,
      %swap3A_317 = vector.shape_cast %swap3A_316 : vector<1x16xf32> to vector<16xf32>
      %swap3A_318 = vector.shape_cast %add3A_286 : vector<16xf32> to vector<1x16xf32>
      tpu.vector_store %arg8[%swap3A_314, %swap3A_315], %swap3A_318 {strides = array<i32>} : memref<96x64xf32, #tpu.memory_space<vmem>>, vector<1x16xf32>,
      %swap3A_319 = arith.index_cast %squeeze3A_274 : i32 to index
      %swap3A_320 = arith.constant 16 : index
      %swap3A_321 = tpu.vector_load %arg8[%swap3A_319, %swap3A_320] {strides = array<i32>} : memref<96x64xf32, #tpu.memory_space<vmem>>, vector<1x16xf32>,
      %swap3A_322 = vector.shape_cast %swap3A_321 : vector<1x16xf32> to vector<16xf32>
      %swap3A_323 = vector.shape_cast %add3A_295 : vector<16xf32> to vector<1x16xf32>
      tpu.vector_store %arg8[%swap3A_319, %swap3A_320], %swap3A_323 {strides = array<i32>} : memref<96x64xf32, #tpu.memory_space<vmem>>, vector<1x16xf32>,
      %swap3A_324 = arith.index_cast %squeeze3A_274 : i32 to index
      %swap3A_325 = arith.constant 32 : index
      %swap3A_326 = tpu.vector_load %arg8[%swap3A_324, %swap3A_325] {strides = array<i32>} : memref<96x64xf32, #tpu.memory_space<vmem>>, vector<1x16xf32>,
      %swap3A_327 = vector.shape_cast %swap3A_326 : vector<1x16xf32> to vector<16xf32>
      %swap3A_328 = vector.shape_cast %add3A_304 : vector<16xf32> to vector<1x16xf32>
      tpu.vector_store %arg8[%swap3A_324, %swap3A_325], %swap3A_328 {strides = array<i32>} : memref<96x64xf32, #tpu.memory_space<vmem>>, vector<1x16xf32>,
      %swap3A_329 = arith.index_cast %squeeze3A_274 : i32 to index
      %swap3A_330 = arith.constant 48 : index
      %swap3A_331 = tpu.vector_load %arg8[%swap3A_329, %swap3A_330] {strides = array<i32>} : memref<96x64xf32, #tpu.memory_space<vmem>>, vector<1x16xf32>,
      %swap3A_332 = vector.shape_cast %swap3A_331 : vector<1x16xf32> to vector<16xf32>
      %swap3A_333 = vector.shape_cast %add3A_313 : vector<16xf32> to vector<1x16xf32>
      tpu.vector_store %arg8[%swap3A_329, %swap3A_330], %swap3A_333 {strides = array<i32>} : memref<96x64xf32, #tpu.memory_space<vmem>>, vector<1x16xf32>,
      %slice3A_334 = vector.extract_strided_slice %get3A_31 {offsets = [5], sizes = [1], strides = [1]} : vector<16xi32> to vector<1xi32>
      %squeeze3A_335 = vector.extract %slice3A_334[0] : i32 from vector<1xi32>
      %eq3A_336 = arith.cmpi eq, %squeeze3A_335, %squeeze3A_274 : i32
      %convert_element_type3A_337 = arith.extui %eq3A_336 : i1 to i32
      %convert_element_type3A_338 = arith.sitofp %convert_element_type3A_337 : i32 to f32
      %mul3A_339 = vector.broadcast %convert_element_type3A_338 : f32 to vector<16xf32>
      %mul3A_340 = arith.mulf %add3A_286, %mul3A_339 : vector<16xf32>
      %add3A_341 = arith.constant 5 : i32
      %add3A_342 = arith.addi %mul3A_28, %add3A_341 : i32
      %get3A_343 = arith.index_cast %add3A_342 : i32 to index
      %get3A_344 = arith.constant 0 : index
      %get3A_345 = tpu.vector_load %arg6[%get3A_343, %get3A_344] {strides = array<i32>} : memref<256x64xf32, #tpu.memory_space<vmem>>, vector<1x16xf32>,
      %get3A_346 = vector.shape_cast %get3A_345 : vector<1x16xf32> to vector<16xf32>
      %add3A_347 = arith.addf %mul3A_340, %get3A_346 : vector<16xf32>
      %mul3A_348 = vector.broadcast %convert_element_type3A_338 : f32 to vector<16xf32>
      %mul3A_349 = arith.mulf %add3A_295, %mul3A_348 : vector<16xf32>
      %add3A_350 = arith.constant 5 : i32
      %add3A_351 = arith.addi %mul3A_28, %add3A_350 : i32
      %get3A_352 = arith.index_cast %add3A_351 : i32 to index
      %get3A_353 = arith.constant 16 : index
      %get3A_354 = tpu.vector_load %arg6[%get3A_352, %get3A_353] {strides = array<i32>} : memref<256x64xf32, #tpu.memory_space<vmem>>, vector<1x16xf32>,
      %get3A_355 = vector.shape_cast %get3A_354 : vector<1x16xf32> to vector<16xf32>
      %add3A_356 = arith.addf %mul3A_349, %get3A_355 : vector<16xf32>
      %mul3A_357 = vector.broadcast %convert_element_type3A_338 : f32 to vector<16xf32>
      %mul3A_358 = arith.mulf %add3A_304, %mul3A_357 : vector<16xf32>
      %add3A_359 = arith.constant 5 : i32
      %add3A_360 = arith.addi %mul3A_28, %add3A_359 : i32
      %get3A_361 = arith.index_cast %add3A_360 : i32 to index
      %get3A_362 = arith.constant 32 : index
      %get3A_363 = tpu.vector_load %arg6[%get3A_361, %get3A_362] {strides = array<i32>} : memref<256x64xf32, #tpu.memory_space<vmem>>, vector<1x16xf32>,
      %get3A_364 = vector.shape_cast %get3A_363 : vector<1x16xf32> to vector<16xf32>
      %add3A_365 = arith.addf %mul3A_358, %get3A_364 : vector<16xf32>
      %mul3A_366 = vector.broadcast %convert_element_type3A_338 : f32 to vector<16xf32>
      %mul3A_367 = arith.mulf %add3A_313, %mul3A_366 : vector<16xf32>
      %add3A_368 = arith.constant 5 : i32
      %add3A_369 = arith.addi %mul3A_28, %add3A_368 : i32
      %get3A_370 = arith.index_cast %add3A_369 : i32 to index
      %get3A_371 = arith.constant 48 : index
      %get3A_372 = tpu.vector_load %arg6[%get3A_370, %get3A_371] {strides = array<i32>} : memref<256x64xf32, #tpu.memory_space<vmem>>, vector<1x16xf32>,
      %get3A_373 = vector.shape_cast %get3A_372 : vector<1x16xf32> to vector<16xf32>
      %add3A_374 = arith.addf %mul3A_367, %get3A_373 : vector<16xf32>
      %swap3A_375 = arith.index_cast %squeeze3A_335 : i32 to index
      %swap3A_376 = arith.constant 0 : index
      %swap3A_377 = tpu.vector_load %arg8[%swap3A_375, %swap3A_376] {strides = array<i32>} : memref<96x64xf32, #tpu.memory_space<vmem>>, vector<1x16xf32>,
      %swap3A_378 = vector.shape_cast %swap3A_377 : vector<1x16xf32> to vector<16xf32>
      %swap3A_379 = vector.shape_cast %add3A_347 : vector<16xf32> to vector<1x16xf32>
      tpu.vector_store %arg8[%swap3A_375, %swap3A_376], %swap3A_379 {strides = array<i32>} : memref<96x64xf32, #tpu.memory_space<vmem>>, vector<1x16xf32>,
      %swap3A_380 = arith.index_cast %squeeze3A_335 : i32 to index
      %swap3A_381 = arith.constant 16 : index
      %swap3A_382 = tpu.vector_load %arg8[%swap3A_380, %swap3A_381] {strides = array<i32>} : memref<96x64xf32, #tpu.memory_space<vmem>>, vector<1x16xf32>,
      %swap3A_383 = vector.shape_cast %swap3A_382 : vector<1x16xf32> to vector<16xf32>
      %swap3A_384 = vector.shape_cast %add3A_356 : vector<16xf32> to vector<1x16xf32>
      tpu.vector_store %arg8[%swap3A_380, %swap3A_381], %swap3A_384 {strides = array<i32>} : memref<96x64xf32, #tpu.memory_space<vmem>>, vector<1x16xf32>,
      %swap3A_385 = arith.index_cast %squeeze3A_335 : i32 to index
      %swap3A_386 = arith.constant 32 : index
      %swap3A_387 = tpu.vector_load %arg8[%swap3A_385, %swap3A_386] {strides = array<i32>} : memref<96x64xf32, #tpu.memory_space<vmem>>, vector<1x16xf32>,
      %swap3A_388 = vector.shape_cast %swap3A_387 : vector<1x16xf32> to vector<16xf32>
      %swap3A_389 = vector.shape_cast %add3A_365 : vector<16xf32> to vector<1x16xf32>
      tpu.vector_store %arg8[%swap3A_385, %swap3A_386], %swap3A_389 {strides = array<i32>} : memref<96x64xf32, #tpu.memory_space<vmem>>, vector<1x16xf32>,
      %swap3A_390 = arith.index_cast %squeeze3A_335 : i32 to index
      %swap3A_391 = arith.constant 48 : index
      %swap3A_392 = tpu.vector_load %arg8[%swap3A_390, %swap3A_391] {strides = array<i32>} : memref<96x64xf32, #tpu.memory_space<vmem>>, vector<1x16xf32>,
      %swap3A_393 = vector.shape_cast %swap3A_392 : vector<1x16xf32> to vector<16xf32>
      %swap3A_394 = vector.shape_cast %add3A_374 : vector<16xf32> to vector<1x16xf32>
      tpu.vector_store %arg8[%swap3A_390, %swap3A_391], %swap3A_394 {strides = array<i32>} : memref<96x64xf32, #tpu.memory_space<vmem>>, vector<1x16xf32>,
      %slice3A_395 = vector.extract_strided_slice %get3A_31 {offsets = [6], sizes = [1], strides = [1]} : vector<16xi32> to vector<1xi32>
      %squeeze3A_396 = vector.extract %slice3A_395[0] : i32 from vector<1xi32>
      %eq3A_397 = arith.cmpi eq, %squeeze3A_396, %squeeze3A_335 : i32
      %convert_element_type3A_398 = arith.extui %eq3A_397 : i1 to i32
      %convert_element_type3A_399 = arith.sitofp %convert_element_type3A_398 : i32 to f32
      %mul3A_400 = vector.broadcast %convert_element_type3A_399 : f32 to vector<16xf32>
      %mul3A_401 = arith.mulf %add3A_347, %mul3A_400 : vector<16xf32>
      %add3A_402 = arith.constant 6 : i32
      %add3A_403 = arith.addi %mul3A_28, %add3A_402 : i32
      %get3A_404 = arith.index_cast %add3A_403 : i32 to index
      %get3A_405 = arith.constant 0 : index
      %get3A_406 = tpu.vector_load %arg6[%get3A_404, %get3A_405] {strides = array<i32>} : memref<256x64xf32, #tpu.memory_space<vmem>>, vector<1x16xf32>,
      %get3A_407 = vector.shape_cast %get3A_406 : vector<1x16xf32> to vector<16xf32>
      %add3A_408 = arith.addf %mul3A_401, %get3A_407 : vector<16xf32>
      %mul3A_409 = vector.broadcast %convert_element_type3A_399 : f32 to vector<16xf32>
      %mul3A_410 = arith.mulf %add3A_356, %mul3A_409 : vector<16xf32>
      %add3A_411 = arith.constant 6 : i32
      %add3A_412 = arith.addi %mul3A_28, %add3A_411 : i32
      %get3A_413 = arith.index_cast %add3A_412 : i32 to index
      %get3A_414 = arith.constant 16 : index
      %get3A_415 = tpu.vector_load %arg6[%get3A_413, %get3A_414] {strides = array<i32>} : memref<256x64xf32, #tpu.memory_space<vmem>>, vector<1x16xf32>,
      %get3A_416 = vector.shape_cast %get3A_415 : vector<1x16xf32> to vector<16xf32>
      %add3A_417 = arith.addf %mul3A_410, %get3A_416 : vector<16xf32>
      %mul3A_418 = vector.broadcast %convert_element_type3A_399 : f32 to vector<16xf32>
      %mul3A_419 = arith.mulf %add3A_365, %mul3A_418 : vector<16xf32>
      %add3A_420 = arith.constant 6 : i32
      %add3A_421 = arith.addi %mul3A_28, %add3A_420 : i32
      %get3A_422 = arith.index_cast %add3A_421 : i32 to index
      %get3A_423 = arith.constant 32 : index
      %get3A_424 = tpu.vector_load %arg6[%get3A_422, %get3A_423] {strides = array<i32>} : memref<256x64xf32, #tpu.memory_space<vmem>>, vector<1x16xf32>,
      %get3A_425 = vector.shape_cast %get3A_424 : vector<1x16xf32> to vector<16xf32>
      %add3A_426 = arith.addf %mul3A_419, %get3A_425 : vector<16xf32>
      %mul3A_427 = vector.broadcast %convert_element_type3A_399 : f32 to vector<16xf32>
      %mul3A_428 = arith.mulf %add3A_374, %mul3A_427 : vector<16xf32>
      %add3A_429 = arith.constant 6 : i32
      %add3A_430 = arith.addi %mul3A_28, %add3A_429 : i32
      %get3A_431 = arith.index_cast %add3A_430 : i32 to index
      %get3A_432 = arith.constant 48 : index
      %get3A_433 = tpu.vector_load %arg6[%get3A_431, %get3A_432] {strides = array<i32>} : memref<256x64xf32, #tpu.memory_space<vmem>>, vector<1x16xf32>,
      %get3A_434 = vector.shape_cast %get3A_433 : vector<1x16xf32> to vector<16xf32>
      %add3A_435 = arith.addf %mul3A_428, %get3A_434 : vector<16xf32>
      %swap3A_436 = arith.index_cast %squeeze3A_396 : i32 to index
      %swap3A_437 = arith.constant 0 : index
      %swap3A_438 = tpu.vector_load %arg8[%swap3A_436, %swap3A_437] {strides = array<i32>} : memref<96x64xf32, #tpu.memory_space<vmem>>, vector<1x16xf32>,
      %swap3A_439 = vector.shape_cast %swap3A_438 : vector<1x16xf32> to vector<16xf32>
      %swap3A_440 = vector.shape_cast %add3A_408 : vector<16xf32> to vector<1x16xf32>
      tpu.vector_store %arg8[%swap3A_436, %swap3A_437], %swap3A_440 {strides = array<i32>} : memref<96x64xf32, #tpu.memory_space<vmem>>, vector<1x16xf32>,
      %swap3A_441 = arith.index_cast %squeeze3A_396 : i32 to index
      %swap3A_442 = arith.constant 16 : index
      %swap3A_443 = tpu.vector_load %arg8[%swap3A_441, %swap3A_442] {strides = array<i32>} : memref<96x64xf32, #tpu.memory_space<vmem>>, vector<1x16xf32>,
      %swap3A_444 = vector.shape_cast %swap3A_443 : vector<1x16xf32> to vector<16xf32>
      %swap3A_445 = vector.shape_cast %add3A_417 : vector<16xf32> to vector<1x16xf32>
      tpu.vector_store %arg8[%swap3A_441, %swap3A_442], %swap3A_445 {strides = array<i32>} : memref<96x64xf32, #tpu.memory_space<vmem>>, vector<1x16xf32>,
      %swap3A_446 = arith.index_cast %squeeze3A_396 : i32 to index
      %swap3A_447 = arith.constant 32 : index
      %swap3A_448 = tpu.vector_load %arg8[%swap3A_446, %swap3A_447] {strides = array<i32>} : memref<96x64xf32, #tpu.memory_space<vmem>>, vector<1x16xf32>,
      %swap3A_449 = vector.shape_cast %swap3A_448 : vector<1x16xf32> to vector<16xf32>
      %swap3A_450 = vector.shape_cast %add3A_426 : vector<16xf32> to vector<1x16xf32>
      tpu.vector_store %arg8[%swap3A_446, %swap3A_447], %swap3A_450 {strides = array<i32>} : memref<96x64xf32, #tpu.memory_space<vmem>>, vector<1x16xf32>,
      %swap3A_451 = arith.index_cast %squeeze3A_396 : i32 to index
      %swap3A_452 = arith.constant 48 : index
      %swap3A_453 = tpu.vector_load %arg8[%swap3A_451, %swap3A_452] {strides = array<i32>} : memref<96x64xf32, #tpu.memory_space<vmem>>, vector<1x16xf32>,
      %swap3A_454 = vector.shape_cast %swap3A_453 : vector<1x16xf32> to vector<16xf32>
      %swap3A_455 = vector.shape_cast %add3A_435 : vector<16xf32> to vector<1x16xf32>
      tpu.vector_store %arg8[%swap3A_451, %swap3A_452], %swap3A_455 {strides = array<i32>} : memref<96x64xf32, #tpu.memory_space<vmem>>, vector<1x16xf32>,
      %slice3A_456 = vector.extract_strided_slice %get3A_31 {offsets = [7], sizes = [1], strides = [1]} : vector<16xi32> to vector<1xi32>
      %squeeze3A_457 = vector.extract %slice3A_456[0] : i32 from vector<1xi32>
      %eq3A_458 = arith.cmpi eq, %squeeze3A_457, %squeeze3A_396 : i32
      %convert_element_type3A_459 = arith.extui %eq3A_458 : i1 to i32
      %convert_element_type3A_460 = arith.sitofp %convert_element_type3A_459 : i32 to f32
      %mul3A_461 = vector.broadcast %convert_element_type3A_460 : f32 to vector<16xf32>
      %mul3A_462 = arith.mulf %add3A_408, %mul3A_461 : vector<16xf32>
      %add3A_463 = arith.constant 7 : i32
      %add3A_464 = arith.addi %mul3A_28, %add3A_463 : i32
      %get3A_465 = arith.index_cast %add3A_464 : i32 to index
      %get3A_466 = arith.constant 0 : index
      %get3A_467 = tpu.vector_load %arg6[%get3A_465, %get3A_466] {strides = array<i32>} : memref<256x64xf32, #tpu.memory_space<vmem>>, vector<1x16xf32>,
      %get3A_468 = vector.shape_cast %get3A_467 : vector<1x16xf32> to vector<16xf32>
      %add3A_469 = arith.addf %mul3A_462, %get3A_468 : vector<16xf32>
      %mul3A_470 = vector.broadcast %convert_element_type3A_460 : f32 to vector<16xf32>
      %mul3A_471 = arith.mulf %add3A_417, %mul3A_470 : vector<16xf32>
      %add3A_472 = arith.constant 7 : i32
      %add3A_473 = arith.addi %mul3A_28, %add3A_472 : i32
      %get3A_474 = arith.index_cast %add3A_473 : i32 to index
      %get3A_475 = arith.constant 16 : index
      %get3A_476 = tpu.vector_load %arg6[%get3A_474, %get3A_475] {strides = array<i32>} : memref<256x64xf32, #tpu.memory_space<vmem>>, vector<1x16xf32>,
      %get3A_477 = vector.shape_cast %get3A_476 : vector<1x16xf32> to vector<16xf32>
      %add3A_478 = arith.addf %mul3A_471, %get3A_477 : vector<16xf32>
      %mul3A_479 = vector.broadcast %convert_element_type3A_460 : f32 to vector<16xf32>
      %mul3A_480 = arith.mulf %add3A_426, %mul3A_479 : vector<16xf32>
      %add3A_481 = arith.constant 7 : i32
      %add3A_482 = arith.addi %mul3A_28, %add3A_481 : i32
      %get3A_483 = arith.index_cast %add3A_482 : i32 to index
      %get3A_484 = arith.constant 32 : index
      %get3A_485 = tpu.vector_load %arg6[%get3A_483, %get3A_484] {strides = array<i32>} : memref<256x64xf32, #tpu.memory_space<vmem>>, vector<1x16xf32>,
      %get3A_486 = vector.shape_cast %get3A_485 : vector<1x16xf32> to vector<16xf32>
      %add3A_487 = arith.addf %mul3A_480, %get3A_486 : vector<16xf32>
      %mul3A_488 = vector.broadcast %convert_element_type3A_460 : f32 to vector<16xf32>
      %mul3A_489 = arith.mulf %add3A_435, %mul3A_488 : vector<16xf32>
      %add3A_490 = arith.constant 7 : i32
      %add3A_491 = arith.addi %mul3A_28, %add3A_490 : i32
      %get3A_492 = arith.index_cast %add3A_491 : i32 to index
      %get3A_493 = arith.constant 48 : index
      %get3A_494 = tpu.vector_load %arg6[%get3A_492, %get3A_493] {strides = array<i32>} : memref<256x64xf32, #tpu.memory_space<vmem>>, vector<1x16xf32>,
      %get3A_495 = vector.shape_cast %get3A_494 : vector<1x16xf32> to vector<16xf32>
      %add3A_496 = arith.addf %mul3A_489, %get3A_495 : vector<16xf32>
      %swap3A_497 = arith.index_cast %squeeze3A_457 : i32 to index
      %swap3A_498 = arith.constant 0 : index
      %swap3A_499 = tpu.vector_load %arg8[%swap3A_497, %swap3A_498] {strides = array<i32>} : memref<96x64xf32, #tpu.memory_space<vmem>>, vector<1x16xf32>,
      %swap3A_500 = vector.shape_cast %swap3A_499 : vector<1x16xf32> to vector<16xf32>
      %swap3A_501 = vector.shape_cast %add3A_469 : vector<16xf32> to vector<1x16xf32>
      tpu.vector_store %arg8[%swap3A_497, %swap3A_498], %swap3A_501 {strides = array<i32>} : memref<96x64xf32, #tpu.memory_space<vmem>>, vector<1x16xf32>,
      %swap3A_502 = arith.index_cast %squeeze3A_457 : i32 to index
      %swap3A_503 = arith.constant 16 : index
      %swap3A_504 = tpu.vector_load %arg8[%swap3A_502, %swap3A_503] {strides = array<i32>} : memref<96x64xf32, #tpu.memory_space<vmem>>, vector<1x16xf32>,
      %swap3A_505 = vector.shape_cast %swap3A_504 : vector<1x16xf32> to vector<16xf32>
      %swap3A_506 = vector.shape_cast %add3A_478 : vector<16xf32> to vector<1x16xf32>
      tpu.vector_store %arg8[%swap3A_502, %swap3A_503], %swap3A_506 {strides = array<i32>} : memref<96x64xf32, #tpu.memory_space<vmem>>, vector<1x16xf32>,
      %swap3A_507 = arith.index_cast %squeeze3A_457 : i32 to index
      %swap3A_508 = arith.constant 32 : index
      %swap3A_509 = tpu.vector_load %arg8[%swap3A_507, %swap3A_508] {strides = array<i32>} : memref<96x64xf32, #tpu.memory_space<vmem>>, vector<1x16xf32>,
      %swap3A_510 = vector.shape_cast %swap3A_509 : vector<1x16xf32> to vector<16xf32>
      %swap3A_511 = vector.shape_cast %add3A_487 : vector<16xf32> to vector<1x16xf32>
      tpu.vector_store %arg8[%swap3A_507, %swap3A_508], %swap3A_511 {strides = array<i32>} : memref<96x64xf32, #tpu.memory_space<vmem>>, vector<1x16xf32>,
      %swap3A_512 = arith.index_cast %squeeze3A_457 : i32 to index
      %swap3A_513 = arith.constant 48 : index
      %swap3A_514 = tpu.vector_load %arg8[%swap3A_512, %swap3A_513] {strides = array<i32>} : memref<96x64xf32, #tpu.memory_space<vmem>>, vector<1x16xf32>,
      %swap3A_515 = vector.shape_cast %swap3A_514 : vector<1x16xf32> to vector<16xf32>
      %swap3A_516 = vector.shape_cast %add3A_496 : vector<16xf32> to vector<1x16xf32>
      tpu.vector_store %arg8[%swap3A_512, %swap3A_513], %swap3A_516 {strides = array<i32>} : memref<96x64xf32, #tpu.memory_space<vmem>>, vector<1x16xf32>,
      %slice3A_517 = vector.extract_strided_slice %get3A_31 {offsets = [8], sizes = [1], strides = [1]} : vector<16xi32> to vector<1xi32>
      %squeeze3A_518 = vector.extract %slice3A_517[0] : i32 from vector<1xi32>
      %eq3A_519 = arith.cmpi eq, %squeeze3A_518, %squeeze3A_457 : i32
      %convert_element_type3A_520 = arith.extui %eq3A_519 : i1 to i32
      %convert_element_type3A_521 = arith.sitofp %convert_element_type3A_520 : i32 to f32
      %mul3A_522 = vector.broadcast %convert_element_type3A_521 : f32 to vector<16xf32>
      %mul3A_523 = arith.mulf %add3A_469, %mul3A_522 : vector<16xf32>
      %add3A_524 = arith.constant 8 : i32
      %add3A_525 = arith.addi %mul3A_28, %add3A_524 : i32
      %get3A_526 = arith.index_cast %add3A_525 : i32 to index
      %get3A_527 = arith.constant 0 : index
      %get3A_528 = tpu.vector_load %arg6[%get3A_526, %get3A_527] {strides = array<i32>} : memref<256x64xf32, #tpu.memory_space<vmem>>, vector<1x16xf32>,
      %get3A_529 = vector.shape_cast %get3A_528 : vector<1x16xf32> to vector<16xf32>
      %add3A_530 = arith.addf %mul3A_523, %get3A_529 : vector<16xf32>
      %mul3A_531 = vector.broadcast %convert_element_type3A_521 : f32 to vector<16xf32>
      %mul3A_532 = arith.mulf %add3A_478, %mul3A_531 : vector<16xf32>
      %add3A_533 = arith.constant 8 : i32
      %add3A_534 = arith.addi %mul3A_28, %add3A_533 : i32
      %get3A_535 = arith.index_cast %add3A_534 : i32 to index
      %get3A_536 = arith.constant 16 : index
      %get3A_537 = tpu.vector_load %arg6[%get3A_535, %get3A_536] {strides = array<i32>} : memref<256x64xf32, #tpu.memory_space<vmem>>, vector<1x16xf32>,
      %get3A_538 = vector.shape_cast %get3A_537 : vector<1x16xf32> to vector<16xf32>
      %add3A_539 = arith.addf %mul3A_532, %get3A_538 : vector<16xf32>
      %mul3A_540 = vector.broadcast %convert_element_type3A_521 : f32 to vector<16xf32>
      %mul3A_541 = arith.mulf %add3A_487, %mul3A_540 : vector<16xf32>
      %add3A_542 = arith.constant 8 : i32
      %add3A_543 = arith.addi %mul3A_28, %add3A_542 : i32
      %get3A_544 = arith.index_cast %add3A_543 : i32 to index
      %get3A_545 = arith.constant 32 : index
      %get3A_546 = tpu.vector_load %arg6[%get3A_544, %get3A_545] {strides = array<i32>} : memref<256x64xf32, #tpu.memory_space<vmem>>, vector<1x16xf32>,
      %get3A_547 = vector.shape_cast %get3A_546 : vector<1x16xf32> to vector<16xf32>
      %add3A_548 = arith.addf %mul3A_541, %get3A_547 : vector<16xf32>
      %mul3A_549 = vector.broadcast %convert_element_type3A_521 : f32 to vector<16xf32>
      %mul3A_550 = arith.mulf %add3A_496, %mul3A_549 : vector<16xf32>
      %add3A_551 = arith.constant 8 : i32
      %add3A_552 = arith.addi %mul3A_28, %add3A_551 : i32
      %get3A_553 = arith.index_cast %add3A_552 : i32 to index
      %get3A_554 = arith.constant 48 : index
      %get3A_555 = tpu.vector_load %arg6[%get3A_553, %get3A_554] {strides = array<i32>} : memref<256x64xf32, #tpu.memory_space<vmem>>, vector<1x16xf32>,
      %get3A_556 = vector.shape_cast %get3A_555 : vector<1x16xf32> to vector<16xf32>
      %add3A_557 = arith.addf %mul3A_550, %get3A_556 : vector<16xf32>
      %swap3A_558 = arith.index_cast %squeeze3A_518 : i32 to index
      %swap3A_559 = arith.constant 0 : index
      %swap3A_560 = tpu.vector_load %arg8[%swap3A_558, %swap3A_559] {strides = array<i32>} : memref<96x64xf32, #tpu.memory_space<vmem>>, vector<1x16xf32>,
      %swap3A_561 = vector.shape_cast %swap3A_560 : vector<1x16xf32> to vector<16xf32>
      %swap3A_562 = vector.shape_cast %add3A_530 : vector<16xf32> to vector<1x16xf32>
      tpu.vector_store %arg8[%swap3A_558, %swap3A_559], %swap3A_562 {strides = array<i32>} : memref<96x64xf32, #tpu.memory_space<vmem>>, vector<1x16xf32>,
      %swap3A_563 = arith.index_cast %squeeze3A_518 : i32 to index
      %swap3A_564 = arith.constant 16 : index
      %swap3A_565 = tpu.vector_load %arg8[%swap3A_563, %swap3A_564] {strides = array<i32>} : memref<96x64xf32, #tpu.memory_space<vmem>>, vector<1x16xf32>,
      %swap3A_566 = vector.shape_cast %swap3A_565 : vector<1x16xf32> to vector<16xf32>
      %swap3A_567 = vector.shape_cast %add3A_539 : vector<16xf32> to vector<1x16xf32>
      tpu.vector_store %arg8[%swap3A_563, %swap3A_564], %swap3A_567 {strides = array<i32>} : memref<96x64xf32, #tpu.memory_space<vmem>>, vector<1x16xf32>,
      %swap3A_568 = arith.index_cast %squeeze3A_518 : i32 to index
      %swap3A_569 = arith.constant 32 : index
      %swap3A_570 = tpu.vector_load %arg8[%swap3A_568, %swap3A_569] {strides = array<i32>} : memref<96x64xf32, #tpu.memory_space<vmem>>, vector<1x16xf32>,
      %swap3A_571 = vector.shape_cast %swap3A_570 : vector<1x16xf32> to vector<16xf32>
      %swap3A_572 = vector.shape_cast %add3A_548 : vector<16xf32> to vector<1x16xf32>
      tpu.vector_store %arg8[%swap3A_568, %swap3A_569], %swap3A_572 {strides = array<i32>} : memref<96x64xf32, #tpu.memory_space<vmem>>, vector<1x16xf32>,
      %swap3A_573 = arith.index_cast %squeeze3A_518 : i32 to index
      %swap3A_574 = arith.constant 48 : index
      %swap3A_575 = tpu.vector_load %arg8[%swap3A_573, %swap3A_574] {strides = array<i32>} : memref<96x64xf32, #tpu.memory_space<vmem>>, vector<1x16xf32>,
      %swap3A_576 = vector.shape_cast %swap3A_575 : vector<1x16xf32> to vector<16xf32>
      %swap3A_577 = vector.shape_cast %add3A_557 : vector<16xf32> to vector<1x16xf32>
      tpu.vector_store %arg8[%swap3A_573, %swap3A_574], %swap3A_577 {strides = array<i32>} : memref<96x64xf32, #tpu.memory_space<vmem>>, vector<1x16xf32>,
      %slice3A_578 = vector.extract_strided_slice %get3A_31 {offsets = [9], sizes = [1], strides = [1]} : vector<16xi32> to vector<1xi32>
      %squeeze3A_579 = vector.extract %slice3A_578[0] : i32 from vector<1xi32>
      %eq3A_580 = arith.cmpi eq, %squeeze3A_579, %squeeze3A_518 : i32
      %convert_element_type3A_581 = arith.extui %eq3A_580 : i1 to i32
      %convert_element_type3A_582 = arith.sitofp %convert_element_type3A_581 : i32 to f32
      %mul3A_583 = vector.broadcast %convert_element_type3A_582 : f32 to vector<16xf32>
      %mul3A_584 = arith.mulf %add3A_530, %mul3A_583 : vector<16xf32>
      %add3A_585 = arith.constant 9 : i32
      %add3A_586 = arith.addi %mul3A_28, %add3A_585 : i32
      %get3A_587 = arith.index_cast %add3A_586 : i32 to index
      %get3A_588 = arith.constant 0 : index
      %get3A_589 = tpu.vector_load %arg6[%get3A_587, %get3A_588] {strides = array<i32>} : memref<256x64xf32, #tpu.memory_space<vmem>>, vector<1x16xf32>,
      %get3A_590 = vector.shape_cast %get3A_589 : vector<1x16xf32> to vector<16xf32>
      %add3A_591 = arith.addf %mul3A_584, %get3A_590 : vector<16xf32>
      %mul3A_592 = vector.broadcast %convert_element_type3A_582 : f32 to vector<16xf32>
      %mul3A_593 = arith.mulf %add3A_539, %mul3A_592 : vector<16xf32>
      %add3A_594 = arith.constant 9 : i32
      %add3A_595 = arith.addi %mul3A_28, %add3A_594 : i32
      %get3A_596 = arith.index_cast %add3A_595 : i32 to index
      %get3A_597 = arith.constant 16 : index
      %get3A_598 = tpu.vector_load %arg6[%get3A_596, %get3A_597] {strides = array<i32>} : memref<256x64xf32, #tpu.memory_space<vmem>>, vector<1x16xf32>,
      %get3A_599 = vector.shape_cast %get3A_598 : vector<1x16xf32> to vector<16xf32>
      %add3A_600 = arith.addf %mul3A_593, %get3A_599 : vector<16xf32>
      %mul3A_601 = vector.broadcast %convert_element_type3A_582 : f32 to vector<16xf32>
      %mul3A_602 = arith.mulf %add3A_548, %mul3A_601 : vector<16xf32>
      %add3A_603 = arith.constant 9 : i32
      %add3A_604 = arith.addi %mul3A_28, %add3A_603 : i32
      %get3A_605 = arith.index_cast %add3A_604 : i32 to index
      %get3A_606 = arith.constant 32 : index
      %get3A_607 = tpu.vector_load %arg6[%get3A_605, %get3A_606] {strides = array<i32>} : memref<256x64xf32, #tpu.memory_space<vmem>>, vector<1x16xf32>,
      %get3A_608 = vector.shape_cast %get3A_607 : vector<1x16xf32> to vector<16xf32>
      %add3A_609 = arith.addf %mul3A_602, %get3A_608 : vector<16xf32>
      %mul3A_610 = vector.broadcast %convert_element_type3A_582 : f32 to vector<16xf32>
      %mul3A_611 = arith.mulf %add3A_557, %mul3A_610 : vector<16xf32>
      %add3A_612 = arith.constant 9 : i32
      %add3A_613 = arith.addi %mul3A_28, %add3A_612 : i32
      %get3A_614 = arith.index_cast %add3A_613 : i32 to index
      %get3A_615 = arith.constant 48 : index
      %get3A_616 = tpu.vector_load %arg6[%get3A_614, %get3A_615] {strides = array<i32>} : memref<256x64xf32, #tpu.memory_space<vmem>>, vector<1x16xf32>,
      %get3A_617 = vector.shape_cast %get3A_616 : vector<1x16xf32> to vector<16xf32>
      %add3A_618 = arith.addf %mul3A_611, %get3A_617 : vector<16xf32>
      %swap3A_619 = arith.index_cast %squeeze3A_579 : i32 to index
      %swap3A_620 = arith.constant 0 : index
      %swap3A_621 = tpu.vector_load %arg8[%swap3A_619, %swap3A_620] {strides = array<i32>} : memref<96x64xf32, #tpu.memory_space<vmem>>, vector<1x16xf32>,
      %swap3A_622 = vector.shape_cast %swap3A_621 : vector<1x16xf32> to vector<16xf32>
      %swap3A_623 = vector.shape_cast %add3A_591 : vector<16xf32> to vector<1x16xf32>
      tpu.vector_store %arg8[%swap3A_619, %swap3A_620], %swap3A_623 {strides = array<i32>} : memref<96x64xf32, #tpu.memory_space<vmem>>, vector<1x16xf32>,
      %swap3A_624 = arith.index_cast %squeeze3A_579 : i32 to index
      %swap3A_625 = arith.constant 16 : index
      %swap3A_626 = tpu.vector_load %arg8[%swap3A_624, %swap3A_625] {strides = array<i32>} : memref<96x64xf32, #tpu.memory_space<vmem>>, vector<1x16xf32>,
      %swap3A_627 = vector.shape_cast %swap3A_626 : vector<1x16xf32> to vector<16xf32>
      %swap3A_628 = vector.shape_cast %add3A_600 : vector<16xf32> to vector<1x16xf32>
      tpu.vector_store %arg8[%swap3A_624, %swap3A_625], %swap3A_628 {strides = array<i32>} : memref<96x64xf32, #tpu.memory_space<vmem>>, vector<1x16xf32>,
      %swap3A_629 = arith.index_cast %squeeze3A_579 : i32 to index
      %swap3A_630 = arith.constant 32 : index
      %swap3A_631 = tpu.vector_load %arg8[%swap3A_629, %swap3A_630] {strides = array<i32>} : memref<96x64xf32, #tpu.memory_space<vmem>>, vector<1x16xf32>,
      %swap3A_632 = vector.shape_cast %swap3A_631 : vector<1x16xf32> to vector<16xf32>
      %swap3A_633 = vector.shape_cast %add3A_609 : vector<16xf32> to vector<1x16xf32>
      tpu.vector_store %arg8[%swap3A_629, %swap3A_630], %swap3A_633 {strides = array<i32>} : memref<96x64xf32, #tpu.memory_space<vmem>>, vector<1x16xf32>,
      %swap3A_634 = arith.index_cast %squeeze3A_579 : i32 to index
      %swap3A_635 = arith.constant 48 : index
      %swap3A_636 = tpu.vector_load %arg8[%swap3A_634, %swap3A_635] {strides = array<i32>} : memref<96x64xf32, #tpu.memory_space<vmem>>, vector<1x16xf32>,
      %swap3A_637 = vector.shape_cast %swap3A_636 : vector<1x16xf32> to vector<16xf32>
      %swap3A_638 = vector.shape_cast %add3A_618 : vector<16xf32> to vector<1x16xf32>
      tpu.vector_store %arg8[%swap3A_634, %swap3A_635], %swap3A_638 {strides = array<i32>} : memref<96x64xf32, #tpu.memory_space<vmem>>, vector<1x16xf32>,
      %slice3A_639 = vector.extract_strided_slice %get3A_31 {offsets = [10], sizes = [1], strides = [1]} : vector<16xi32> to vector<1xi32>
      %squeeze3A_640 = vector.extract %slice3A_639[0] : i32 from vector<1xi32>
      %eq3A_641 = arith.cmpi eq, %squeeze3A_640, %squeeze3A_579 : i32
      %convert_element_type3A_642 = arith.extui %eq3A_641 : i1 to i32
      %convert_element_type3A_643 = arith.sitofp %convert_element_type3A_642 : i32 to f32
      %mul3A_644 = vector.broadcast %convert_element_type3A_643 : f32 to vector<16xf32>
      %mul3A_645 = arith.mulf %add3A_591, %mul3A_644 : vector<16xf32>
      %add3A_646 = arith.constant 10 : i32
      %add3A_647 = arith.addi %mul3A_28, %add3A_646 : i32
      %get3A_648 = arith.index_cast %add3A_647 : i32 to index
      %get3A_649 = arith.constant 0 : index
      %get3A_650 = tpu.vector_load %arg6[%get3A_648, %get3A_649] {strides = array<i32>} : memref<256x64xf32, #tpu.memory_space<vmem>>, vector<1x16xf32>,
      %get3A_651 = vector.shape_cast %get3A_650 : vector<1x16xf32> to vector<16xf32>
      %add3A_652 = arith.addf %mul3A_645, %get3A_651 : vector<16xf32>
      %mul3A_653 = vector.broadcast %convert_element_type3A_643 : f32 to vector<16xf32>
      %mul3A_654 = arith.mulf %add3A_600, %mul3A_653 : vector<16xf32>
      %add3A_655 = arith.constant 10 : i32
      %add3A_656 = arith.addi %mul3A_28, %add3A_655 : i32
      %get3A_657 = arith.index_cast %add3A_656 : i32 to index
      %get3A_658 = arith.constant 16 : index
      %get3A_659 = tpu.vector_load %arg6[%get3A_657, %get3A_658] {strides = array<i32>} : memref<256x64xf32, #tpu.memory_space<vmem>>, vector<1x16xf32>,
      %get3A_660 = vector.shape_cast %get3A_659 : vector<1x16xf32> to vector<16xf32>
      %add3A_661 = arith.addf %mul3A_654, %get3A_660 : vector<16xf32>
      %mul3A_662 = vector.broadcast %convert_element_type3A_643 : f32 to vector<16xf32>
      %mul3A_663 = arith.mulf %add3A_609, %mul3A_662 : vector<16xf32>
      %add3A_664 = arith.constant 10 : i32
      %add3A_665 = arith.addi %mul3A_28, %add3A_664 : i32
      %get3A_666 = arith.index_cast %add3A_665 : i32 to index
      %get3A_667 = arith.constant 32 : index
      %get3A_668 = tpu.vector_load %arg6[%get3A_666, %get3A_667] {strides = array<i32>} : memref<256x64xf32, #tpu.memory_space<vmem>>, vector<1x16xf32>,
      %get3A_669 = vector.shape_cast %get3A_668 : vector<1x16xf32> to vector<16xf32>
      %add3A_670 = arith.addf %mul3A_663, %get3A_669 : vector<16xf32>
      %mul3A_671 = vector.broadcast %convert_element_type3A_643 : f32 to vector<16xf32>
      %mul3A_672 = arith.mulf %add3A_618, %mul3A_671 : vector<16xf32>
      %add3A_673 = arith.constant 10 : i32
      %add3A_674 = arith.addi %mul3A_28, %add3A_673 : i32
      %get3A_675 = arith.index_cast %add3A_674 : i32 to index
      %get3A_676 = arith.constant 48 : index
      %get3A_677 = tpu.vector_load %arg6[%get3A_675, %get3A_676] {strides = array<i32>} : memref<256x64xf32, #tpu.memory_space<vmem>>, vector<1x16xf32>,
      %get3A_678 = vector.shape_cast %get3A_677 : vector<1x16xf32> to vector<16xf32>
      %add3A_679 = arith.addf %mul3A_672, %get3A_678 : vector<16xf32>
      %swap3A_680 = arith.index_cast %squeeze3A_640 : i32 to index
      %swap3A_681 = arith.constant 0 : index
      %swap3A_682 = tpu.vector_load %arg8[%swap3A_680, %swap3A_681] {strides = array<i32>} : memref<96x64xf32, #tpu.memory_space<vmem>>, vector<1x16xf32>,
      %swap3A_683 = vector.shape_cast %swap3A_682 : vector<1x16xf32> to vector<16xf32>
      %swap3A_684 = vector.shape_cast %add3A_652 : vector<16xf32> to vector<1x16xf32>
      tpu.vector_store %arg8[%swap3A_680, %swap3A_681], %swap3A_684 {strides = array<i32>} : memref<96x64xf32, #tpu.memory_space<vmem>>, vector<1x16xf32>,
      %swap3A_685 = arith.index_cast %squeeze3A_640 : i32 to index
      %swap3A_686 = arith.constant 16 : index
      %swap3A_687 = tpu.vector_load %arg8[%swap3A_685, %swap3A_686] {strides = array<i32>} : memref<96x64xf32, #tpu.memory_space<vmem>>, vector<1x16xf32>,
      %swap3A_688 = vector.shape_cast %swap3A_687 : vector<1x16xf32> to vector<16xf32>
      %swap3A_689 = vector.shape_cast %add3A_661 : vector<16xf32> to vector<1x16xf32>
      tpu.vector_store %arg8[%swap3A_685, %swap3A_686], %swap3A_689 {strides = array<i32>} : memref<96x64xf32, #tpu.memory_space<vmem>>, vector<1x16xf32>,
      %swap3A_690 = arith.index_cast %squeeze3A_640 : i32 to index
      %swap3A_691 = arith.constant 32 : index
      %swap3A_692 = tpu.vector_load %arg8[%swap3A_690, %swap3A_691] {strides = array<i32>} : memref<96x64xf32, #tpu.memory_space<vmem>>, vector<1x16xf32>,
      %swap3A_693 = vector.shape_cast %swap3A_692 : vector<1x16xf32> to vector<16xf32>
      %swap3A_694 = vector.shape_cast %add3A_670 : vector<16xf32> to vector<1x16xf32>
      tpu.vector_store %arg8[%swap3A_690, %swap3A_691], %swap3A_694 {strides = array<i32>} : memref<96x64xf32, #tpu.memory_space<vmem>>, vector<1x16xf32>,
      %swap3A_695 = arith.index_cast %squeeze3A_640 : i32 to index
      %swap3A_696 = arith.constant 48 : index
      %swap3A_697 = tpu.vector_load %arg8[%swap3A_695, %swap3A_696] {strides = array<i32>} : memref<96x64xf32, #tpu.memory_space<vmem>>, vector<1x16xf32>,
      %swap3A_698 = vector.shape_cast %swap3A_697 : vector<1x16xf32> to vector<16xf32>
      %swap3A_699 = vector.shape_cast %add3A_679 : vector<16xf32> to vector<1x16xf32>
      tpu.vector_store %arg8[%swap3A_695, %swap3A_696], %swap3A_699 {strides = array<i32>} : memref<96x64xf32, #tpu.memory_space<vmem>>, vector<1x16xf32>,
      %slice3A_700 = vector.extract_strided_slice %get3A_31 {offsets = [11], sizes = [1], strides = [1]} : vector<16xi32> to vector<1xi32>
      %squeeze3A_701 = vector.extract %slice3A_700[0] : i32 from vector<1xi32>
      %eq3A_702 = arith.cmpi eq, %squeeze3A_701, %squeeze3A_640 : i32
      %convert_element_type3A_703 = arith.extui %eq3A_702 : i1 to i32
      %convert_element_type3A_704 = arith.sitofp %convert_element_type3A_703 : i32 to f32
      %mul3A_705 = vector.broadcast %convert_element_type3A_704 : f32 to vector<16xf32>
      %mul3A_706 = arith.mulf %add3A_652, %mul3A_705 : vector<16xf32>
      %add3A_707 = arith.constant 11 : i32
      %add3A_708 = arith.addi %mul3A_28, %add3A_707 : i32
      %get3A_709 = arith.index_cast %add3A_708 : i32 to index
      %get3A_710 = arith.constant 0 : index
      %get3A_711 = tpu.vector_load %arg6[%get3A_709, %get3A_710] {strides = array<i32>} : memref<256x64xf32, #tpu.memory_space<vmem>>, vector<1x16xf32>,
      %get3A_712 = vector.shape_cast %get3A_711 : vector<1x16xf32> to vector<16xf32>
      %add3A_713 = arith.addf %mul3A_706, %get3A_712 : vector<16xf32>
      %mul3A_714 = vector.broadcast %convert_element_type3A_704 : f32 to vector<16xf32>
      %mul3A_715 = arith.mulf %add3A_661, %mul3A_714 : vector<16xf32>
      %add3A_716 = arith.constant 11 : i32
      %add3A_717 = arith.addi %mul3A_28, %add3A_716 : i32
      %get3A_718 = arith.index_cast %add3A_717 : i32 to index
      %get3A_719 = arith.constant 16 : index
      %get3A_720 = tpu.vector_load %arg6[%get3A_718, %get3A_719] {strides = array<i32>} : memref<256x64xf32, #tpu.memory_space<vmem>>, vector<1x16xf32>,
      %get3A_721 = vector.shape_cast %get3A_720 : vector<1x16xf32> to vector<16xf32>
      %add3A_722 = arith.addf %mul3A_715, %get3A_721 : vector<16xf32>
      %mul3A_723 = vector.broadcast %convert_element_type3A_704 : f32 to vector<16xf32>
      %mul3A_724 = arith.mulf %add3A_670, %mul3A_723 : vector<16xf32>
      %add3A_725 = arith.constant 11 : i32
      %add3A_726 = arith.addi %mul3A_28, %add3A_725 : i32
      %get3A_727 = arith.index_cast %add3A_726 : i32 to index
      %get3A_728 = arith.constant 32 : index
      %get3A_729 = tpu.vector_load %arg6[%get3A_727, %get3A_728] {strides = array<i32>} : memref<256x64xf32, #tpu.memory_space<vmem>>, vector<1x16xf32>,
      %get3A_730 = vector.shape_cast %get3A_729 : vector<1x16xf32> to vector<16xf32>
      %add3A_731 = arith.addf %mul3A_724, %get3A_730 : vector<16xf32>
      %mul3A_732 = vector.broadcast %convert_element_type3A_704 : f32 to vector<16xf32>
      %mul3A_733 = arith.mulf %add3A_679, %mul3A_732 : vector<16xf32>
      %add3A_734 = arith.constant 11 : i32
      %add3A_735 = arith.addi %mul3A_28, %add3A_734 : i32
      %get3A_736 = arith.index_cast %add3A_735 : i32 to index
      %get3A_737 = arith.constant 48 : index
      %get3A_738 = tpu.vector_load %arg6[%get3A_736, %get3A_737] {strides = array<i32>} : memref<256x64xf32, #tpu.memory_space<vmem>>, vector<1x16xf32>,
      %get3A_739 = vector.shape_cast %get3A_738 : vector<1x16xf32> to vector<16xf32>
      %add3A_740 = arith.addf %mul3A_733, %get3A_739 : vector<16xf32>
      %swap3A_741 = arith.index_cast %squeeze3A_701 : i32 to index
      %swap3A_742 = arith.constant 0 : index
      %swap3A_743 = tpu.vector_load %arg8[%swap3A_741, %swap3A_742] {strides = array<i32>} : memref<96x64xf32, #tpu.memory_space<vmem>>, vector<1x16xf32>,
      %swap3A_744 = vector.shape_cast %swap3A_743 : vector<1x16xf32> to vector<16xf32>
      %swap3A_745 = vector.shape_cast %add3A_713 : vector<16xf32> to vector<1x16xf32>
      tpu.vector_store %arg8[%swap3A_741, %swap3A_742], %swap3A_745 {strides = array<i32>} : memref<96x64xf32, #tpu.memory_space<vmem>>, vector<1x16xf32>,
      %swap3A_746 = arith.index_cast %squeeze3A_701 : i32 to index
      %swap3A_747 = arith.constant 16 : index
      %swap3A_748 = tpu.vector_load %arg8[%swap3A_746, %swap3A_747] {strides = array<i32>} : memref<96x64xf32, #tpu.memory_space<vmem>>, vector<1x16xf32>,
      %swap3A_749 = vector.shape_cast %swap3A_748 : vector<1x16xf32> to vector<16xf32>
      %swap3A_750 = vector.shape_cast %add3A_722 : vector<16xf32> to vector<1x16xf32>
      tpu.vector_store %arg8[%swap3A_746, %swap3A_747], %swap3A_750 {strides = array<i32>} : memref<96x64xf32, #tpu.memory_space<vmem>>, vector<1x16xf32>,
      %swap3A_751 = arith.index_cast %squeeze3A_701 : i32 to index
      %swap3A_752 = arith.constant 32 : index
      %swap3A_753 = tpu.vector_load %arg8[%swap3A_751, %swap3A_752] {strides = array<i32>} : memref<96x64xf32, #tpu.memory_space<vmem>>, vector<1x16xf32>,
      %swap3A_754 = vector.shape_cast %swap3A_753 : vector<1x16xf32> to vector<16xf32>
      %swap3A_755 = vector.shape_cast %add3A_731 : vector<16xf32> to vector<1x16xf32>
      tpu.vector_store %arg8[%swap3A_751, %swap3A_752], %swap3A_755 {strides = array<i32>} : memref<96x64xf32, #tpu.memory_space<vmem>>, vector<1x16xf32>,
      %swap3A_756 = arith.index_cast %squeeze3A_701 : i32 to index
      %swap3A_757 = arith.constant 48 : index
      %swap3A_758 = tpu.vector_load %arg8[%swap3A_756, %swap3A_757] {strides = array<i32>} : memref<96x64xf32, #tpu.memory_space<vmem>>, vector<1x16xf32>,
      %swap3A_759 = vector.shape_cast %swap3A_758 : vector<1x16xf32> to vector<16xf32>
      %swap3A_760 = vector.shape_cast %add3A_740 : vector<16xf32> to vector<1x16xf32>
      tpu.vector_store %arg8[%swap3A_756, %swap3A_757], %swap3A_760 {strides = array<i32>} : memref<96x64xf32, #tpu.memory_space<vmem>>, vector<1x16xf32>,
      %slice3A_761 = vector.extract_strided_slice %get3A_31 {offsets = [12], sizes = [1], strides = [1]} : vector<16xi32> to vector<1xi32>
      %squeeze3A_762 = vector.extract %slice3A_761[0] : i32 from vector<1xi32>
      %eq3A_763 = arith.cmpi eq, %squeeze3A_762, %squeeze3A_701 : i32
      %convert_element_type3A_764 = arith.extui %eq3A_763 : i1 to i32
      %convert_element_type3A_765 = arith.sitofp %convert_element_type3A_764 : i32 to f32
      %mul3A_766 = vector.broadcast %convert_element_type3A_765 : f32 to vector<16xf32>
      %mul3A_767 = arith.mulf %add3A_713, %mul3A_766 : vector<16xf32>
      %add3A_768 = arith.constant 12 : i32
      %add3A_769 = arith.addi %mul3A_28, %add3A_768 : i32
      %get3A_770 = arith.index_cast %add3A_769 : i32 to index
      %get3A_771 = arith.constant 0 : index
      %get3A_772 = tpu.vector_load %arg6[%get3A_770, %get3A_771] {strides = array<i32>} : memref<256x64xf32, #tpu.memory_space<vmem>>, vector<1x16xf32>,
      %get3A_773 = vector.shape_cast %get3A_772 : vector<1x16xf32> to vector<16xf32>
      %add3A_774 = arith.addf %mul3A_767, %get3A_773 : vector<16xf32>
      %mul3A_775 = vector.broadcast %convert_element_type3A_765 : f32 to vector<16xf32>
      %mul3A_776 = arith.mulf %add3A_722, %mul3A_775 : vector<16xf32>
      %add3A_777 = arith.constant 12 : i32
      %add3A_778 = arith.addi %mul3A_28, %add3A_777 : i32
      %get3A_779 = arith.index_cast %add3A_778 : i32 to index
      %get3A_780 = arith.constant 16 : index
      %get3A_781 = tpu.vector_load %arg6[%get3A_779, %get3A_780] {strides = array<i32>} : memref<256x64xf32, #tpu.memory_space<vmem>>, vector<1x16xf32>,
      %get3A_782 = vector.shape_cast %get3A_781 : vector<1x16xf32> to vector<16xf32>
      %add3A_783 = arith.addf %mul3A_776, %get3A_782 : vector<16xf32>
      %mul3A_784 = vector.broadcast %convert_element_type3A_765 : f32 to vector<16xf32>
      %mul3A_785 = arith.mulf %add3A_731, %mul3A_784 : vector<16xf32>
      %add3A_786 = arith.constant 12 : i32
      %add3A_787 = arith.addi %mul3A_28, %add3A_786 : i32
      %get3A_788 = arith.index_cast %add3A_787 : i32 to index
      %get3A_789 = arith.constant 32 : index
      %get3A_790 = tpu.vector_load %arg6[%get3A_788, %get3A_789] {strides = array<i32>} : memref<256x64xf32, #tpu.memory_space<vmem>>, vector<1x16xf32>,
      %get3A_791 = vector.shape_cast %get3A_790 : vector<1x16xf32> to vector<16xf32>
      %add3A_792 = arith.addf %mul3A_785, %get3A_791 : vector<16xf32>
      %mul3A_793 = vector.broadcast %convert_element_type3A_765 : f32 to vector<16xf32>
      %mul3A_794 = arith.mulf %add3A_740, %mul3A_793 : vector<16xf32>
      %add3A_795 = arith.constant 12 : i32
      %add3A_796 = arith.addi %mul3A_28, %add3A_795 : i32
      %get3A_797 = arith.index_cast %add3A_796 : i32 to index
      %get3A_798 = arith.constant 48 : index
      %get3A_799 = tpu.vector_load %arg6[%get3A_797, %get3A_798] {strides = array<i32>} : memref<256x64xf32, #tpu.memory_space<vmem>>, vector<1x16xf32>,
      %get3A_800 = vector.shape_cast %get3A_799 : vector<1x16xf32> to vector<16xf32>
      %add3A_801 = arith.addf %mul3A_794, %get3A_800 : vector<16xf32>
      %swap3A_802 = arith.index_cast %squeeze3A_762 : i32 to index
      %swap3A_803 = arith.constant 0 : index
      %swap3A_804 = tpu.vector_load %arg8[%swap3A_802, %swap3A_803] {strides = array<i32>} : memref<96x64xf32, #tpu.memory_space<vmem>>, vector<1x16xf32>,
      %swap3A_805 = vector.shape_cast %swap3A_804 : vector<1x16xf32> to vector<16xf32>
      %swap3A_806 = vector.shape_cast %add3A_774 : vector<16xf32> to vector<1x16xf32>
      tpu.vector_store %arg8[%swap3A_802, %swap3A_803], %swap3A_806 {strides = array<i32>} : memref<96x64xf32, #tpu.memory_space<vmem>>, vector<1x16xf32>,
      %swap3A_807 = arith.index_cast %squeeze3A_762 : i32 to index
      %swap3A_808 = arith.constant 16 : index
      %swap3A_809 = tpu.vector_load %arg8[%swap3A_807, %swap3A_808] {strides = array<i32>} : memref<96x64xf32, #tpu.memory_space<vmem>>, vector<1x16xf32>,
      %swap3A_810 = vector.shape_cast %swap3A_809 : vector<1x16xf32> to vector<16xf32>
      %swap3A_811 = vector.shape_cast %add3A_783 : vector<16xf32> to vector<1x16xf32>
      tpu.vector_store %arg8[%swap3A_807, %swap3A_808], %swap3A_811 {strides = array<i32>} : memref<96x64xf32, #tpu.memory_space<vmem>>, vector<1x16xf32>,
      %swap3A_812 = arith.index_cast %squeeze3A_762 : i32 to index
      %swap3A_813 = arith.constant 32 : index
      %swap3A_814 = tpu.vector_load %arg8[%swap3A_812, %swap3A_813] {strides = array<i32>} : memref<96x64xf32, #tpu.memory_space<vmem>>, vector<1x16xf32>,
      %swap3A_815 = vector.shape_cast %swap3A_814 : vector<1x16xf32> to vector<16xf32>
      %swap3A_816 = vector.shape_cast %add3A_792 : vector<16xf32> to vector<1x16xf32>
      tpu.vector_store %arg8[%swap3A_812, %swap3A_813], %swap3A_816 {strides = array<i32>} : memref<96x64xf32, #tpu.memory_space<vmem>>, vector<1x16xf32>,
      %swap3A_817 = arith.index_cast %squeeze3A_762 : i32 to index
      %swap3A_818 = arith.constant 48 : index
      %swap3A_819 = tpu.vector_load %arg8[%swap3A_817, %swap3A_818] {strides = array<i32>} : memref<96x64xf32, #tpu.memory_space<vmem>>, vector<1x16xf32>,
      %swap3A_820 = vector.shape_cast %swap3A_819 : vector<1x16xf32> to vector<16xf32>
      %swap3A_821 = vector.shape_cast %add3A_801 : vector<16xf32> to vector<1x16xf32>
      tpu.vector_store %arg8[%swap3A_817, %swap3A_818], %swap3A_821 {strides = array<i32>} : memref<96x64xf32, #tpu.memory_space<vmem>>, vector<1x16xf32>,
      %slice3A_822 = vector.extract_strided_slice %get3A_31 {offsets = [13], sizes = [1], strides = [1]} : vector<16xi32> to vector<1xi32>
      %squeeze3A_823 = vector.extract %slice3A_822[0] : i32 from vector<1xi32>
      %eq3A_824 = arith.cmpi eq, %squeeze3A_823, %squeeze3A_762 : i32
      %convert_element_type3A_825 = arith.extui %eq3A_824 : i1 to i32
      %convert_element_type3A_826 = arith.sitofp %convert_element_type3A_825 : i32 to f32
      %mul3A_827 = vector.broadcast %convert_element_type3A_826 : f32 to vector<16xf32>
      %mul3A_828 = arith.mulf %add3A_774, %mul3A_827 : vector<16xf32>
      %add3A_829 = arith.constant 13 : i32
      %add3A_830 = arith.addi %mul3A_28, %add3A_829 : i32
      %get3A_831 = arith.index_cast %add3A_830 : i32 to index
      %get3A_832 = arith.constant 0 : index
      %get3A_833 = tpu.vector_load %arg6[%get3A_831, %get3A_832] {strides = array<i32>} : memref<256x64xf32, #tpu.memory_space<vmem>>, vector<1x16xf32>,
      %get3A_834 = vector.shape_cast %get3A_833 : vector<1x16xf32> to vector<16xf32>
      %add3A_835 = arith.addf %mul3A_828, %get3A_834 : vector<16xf32>
      %mul3A_836 = vector.broadcast %convert_element_type3A_826 : f32 to vector<16xf32>
      %mul3A_837 = arith.mulf %add3A_783, %mul3A_836 : vector<16xf32>
      %add3A_838 = arith.constant 13 : i32
      %add3A_839 = arith.addi %mul3A_28, %add3A_838 : i32
      %get3A_840 = arith.index_cast %add3A_839 : i32 to index
      %get3A_841 = arith.constant 16 : index
      %get3A_842 = tpu.vector_load %arg6[%get3A_840, %get3A_841] {strides = array<i32>} : memref<256x64xf32, #tpu.memory_space<vmem>>, vector<1x16xf32>,
      %get3A_843 = vector.shape_cast %get3A_842 : vector<1x16xf32> to vector<16xf32>
      %add3A_844 = arith.addf %mul3A_837, %get3A_843 : vector<16xf32>
      %mul3A_845 = vector.broadcast %convert_element_type3A_826 : f32 to vector<16xf32>
      %mul3A_846 = arith.mulf %add3A_792, %mul3A_845 : vector<16xf32>
      %add3A_847 = arith.constant 13 : i32
      %add3A_848 = arith.addi %mul3A_28, %add3A_847 : i32
      %get3A_849 = arith.index_cast %add3A_848 : i32 to index
      %get3A_850 = arith.constant 32 : index
      %get3A_851 = tpu.vector_load %arg6[%get3A_849, %get3A_850] {strides = array<i32>} : memref<256x64xf32, #tpu.memory_space<vmem>>, vector<1x16xf32>,
      %get3A_852 = vector.shape_cast %get3A_851 : vector<1x16xf32> to vector<16xf32>
      %add3A_853 = arith.addf %mul3A_846, %get3A_852 : vector<16xf32>
      %mul3A_854 = vector.broadcast %convert_element_type3A_826 : f32 to vector<16xf32>
      %mul3A_855 = arith.mulf %add3A_801, %mul3A_854 : vector<16xf32>
      %add3A_856 = arith.constant 13 : i32
      %add3A_857 = arith.addi %mul3A_28, %add3A_856 : i32
      %get3A_858 = arith.index_cast %add3A_857 : i32 to index
      %get3A_859 = arith.constant 48 : index
      %get3A_860 = tpu.vector_load %arg6[%get3A_858, %get3A_859] {strides = array<i32>} : memref<256x64xf32, #tpu.memory_space<vmem>>, vector<1x16xf32>,
      %get3A_861 = vector.shape_cast %get3A_860 : vector<1x16xf32> to vector<16xf32>
      %add3A_862 = arith.addf %mul3A_855, %get3A_861 : vector<16xf32>
      %swap3A_863 = arith.index_cast %squeeze3A_823 : i32 to index
      %swap3A_864 = arith.constant 0 : index
      %swap3A_865 = tpu.vector_load %arg8[%swap3A_863, %swap3A_864] {strides = array<i32>} : memref<96x64xf32, #tpu.memory_space<vmem>>, vector<1x16xf32>,
      %swap3A_866 = vector.shape_cast %swap3A_865 : vector<1x16xf32> to vector<16xf32>
      %swap3A_867 = vector.shape_cast %add3A_835 : vector<16xf32> to vector<1x16xf32>
      tpu.vector_store %arg8[%swap3A_863, %swap3A_864], %swap3A_867 {strides = array<i32>} : memref<96x64xf32, #tpu.memory_space<vmem>>, vector<1x16xf32>,
      %swap3A_868 = arith.index_cast %squeeze3A_823 : i32 to index
      %swap3A_869 = arith.constant 16 : index
      %swap3A_870 = tpu.vector_load %arg8[%swap3A_868, %swap3A_869] {strides = array<i32>} : memref<96x64xf32, #tpu.memory_space<vmem>>, vector<1x16xf32>,
      %swap3A_871 = vector.shape_cast %swap3A_870 : vector<1x16xf32> to vector<16xf32>
      %swap3A_872 = vector.shape_cast %add3A_844 : vector<16xf32> to vector<1x16xf32>
      tpu.vector_store %arg8[%swap3A_868, %swap3A_869], %swap3A_872 {strides = array<i32>} : memref<96x64xf32, #tpu.memory_space<vmem>>, vector<1x16xf32>,
      %swap3A_873 = arith.index_cast %squeeze3A_823 : i32 to index
      %swap3A_874 = arith.constant 32 : index
      %swap3A_875 = tpu.vector_load %arg8[%swap3A_873, %swap3A_874] {strides = array<i32>} : memref<96x64xf32, #tpu.memory_space<vmem>>, vector<1x16xf32>,
      %swap3A_876 = vector.shape_cast %swap3A_875 : vector<1x16xf32> to vector<16xf32>
      %swap3A_877 = vector.shape_cast %add3A_853 : vector<16xf32> to vector<1x16xf32>
      tpu.vector_store %arg8[%swap3A_873, %swap3A_874], %swap3A_877 {strides = array<i32>} : memref<96x64xf32, #tpu.memory_space<vmem>>, vector<1x16xf32>,
      %swap3A_878 = arith.index_cast %squeeze3A_823 : i32 to index
      %swap3A_879 = arith.constant 48 : index
      %swap3A_880 = tpu.vector_load %arg8[%swap3A_878, %swap3A_879] {strides = array<i32>} : memref<96x64xf32, #tpu.memory_space<vmem>>, vector<1x16xf32>,
      %swap3A_881 = vector.shape_cast %swap3A_880 : vector<1x16xf32> to vector<16xf32>
      %swap3A_882 = vector.shape_cast %add3A_862 : vector<16xf32> to vector<1x16xf32>
      tpu.vector_store %arg8[%swap3A_878, %swap3A_879], %swap3A_882 {strides = array<i32>} : memref<96x64xf32, #tpu.memory_space<vmem>>, vector<1x16xf32>,
      %slice3A_883 = vector.extract_strided_slice %get3A_31 {offsets = [14], sizes = [1], strides = [1]} : vector<16xi32> to vector<1xi32>
      %squeeze3A_884 = vector.extract %slice3A_883[0] : i32 from vector<1xi32>
      %eq3A_885 = arith.cmpi eq, %squeeze3A_884, %squeeze3A_823 : i32
      %convert_element_type3A_886 = arith.extui %eq3A_885 : i1 to i32
      %convert_element_type3A_887 = arith.sitofp %convert_element_type3A_886 : i32 to f32
      %mul3A_888 = vector.broadcast %convert_element_type3A_887 : f32 to vector<16xf32>
      %mul3A_889 = arith.mulf %add3A_835, %mul3A_888 : vector<16xf32>
      %add3A_890 = arith.constant 14 : i32
      %add3A_891 = arith.addi %mul3A_28, %add3A_890 : i32
      %get3A_892 = arith.index_cast %add3A_891 : i32 to index
      %get3A_893 = arith.constant 0 : index
      %get3A_894 = tpu.vector_load %arg6[%get3A_892, %get3A_893] {strides = array<i32>} : memref<256x64xf32, #tpu.memory_space<vmem>>, vector<1x16xf32>,
      %get3A_895 = vector.shape_cast %get3A_894 : vector<1x16xf32> to vector<16xf32>
      %add3A_896 = arith.addf %mul3A_889, %get3A_895 : vector<16xf32>
      %mul3A_897 = vector.broadcast %convert_element_type3A_887 : f32 to vector<16xf32>
      %mul3A_898 = arith.mulf %add3A_844, %mul3A_897 : vector<16xf32>
      %add3A_899 = arith.constant 14 : i32
      %add3A_900 = arith.addi %mul3A_28, %add3A_899 : i32
      %get3A_901 = arith.index_cast %add3A_900 : i32 to index
      %get3A_902 = arith.constant 16 : index
      %get3A_903 = tpu.vector_load %arg6[%get3A_901, %get3A_902] {strides = array<i32>} : memref<256x64xf32, #tpu.memory_space<vmem>>, vector<1x16xf32>,
      %get3A_904 = vector.shape_cast %get3A_903 : vector<1x16xf32> to vector<16xf32>
      %add3A_905 = arith.addf %mul3A_898, %get3A_904 : vector<16xf32>
      %mul3A_906 = vector.broadcast %convert_element_type3A_887 : f32 to vector<16xf32>
      %mul3A_907 = arith.mulf %add3A_853, %mul3A_906 : vector<16xf32>
      %add3A_908 = arith.constant 14 : i32
      %add3A_909 = arith.addi %mul3A_28, %add3A_908 : i32
      %get3A_910 = arith.index_cast %add3A_909 : i32 to index
      %get3A_911 = arith.constant 32 : index
      %get3A_912 = tpu.vector_load %arg6[%get3A_910, %get3A_911] {strides = array<i32>} : memref<256x64xf32, #tpu.memory_space<vmem>>, vector<1x16xf32>,
      %get3A_913 = vector.shape_cast %get3A_912 : vector<1x16xf32> to vector<16xf32>
      %add3A_914 = arith.addf %mul3A_907, %get3A_913 : vector<16xf32>
      %mul3A_915 = vector.broadcast %convert_element_type3A_887 : f32 to vector<16xf32>
      %mul3A_916 = arith.mulf %add3A_862, %mul3A_915 : vector<16xf32>
      %add3A_917 = arith.constant 14 : i32
      %add3A_918 = arith.addi %mul3A_28, %add3A_917 : i32
      %get3A_919 = arith.index_cast %add3A_918 : i32 to index
      %get3A_920 = arith.constant 48 : index
      %get3A_921 = tpu.vector_load %arg6[%get3A_919, %get3A_920] {strides = array<i32>} : memref<256x64xf32, #tpu.memory_space<vmem>>, vector<1x16xf32>,
      %get3A_922 = vector.shape_cast %get3A_921 : vector<1x16xf32> to vector<16xf32>
      %add3A_923 = arith.addf %mul3A_916, %get3A_922 : vector<16xf32>
      %swap3A_924 = arith.index_cast %squeeze3A_884 : i32 to index
      %swap3A_925 = arith.constant 0 : index
      %swap3A_926 = tpu.vector_load %arg8[%swap3A_924, %swap3A_925] {strides = array<i32>} : memref<96x64xf32, #tpu.memory_space<vmem>>, vector<1x16xf32>,
      %swap3A_927 = vector.shape_cast %swap3A_926 : vector<1x16xf32> to vector<16xf32>
      %swap3A_928 = vector.shape_cast %add3A_896 : vector<16xf32> to vector<1x16xf32>
      tpu.vector_store %arg8[%swap3A_924, %swap3A_925], %swap3A_928 {strides = array<i32>} : memref<96x64xf32, #tpu.memory_space<vmem>>, vector<1x16xf32>,
      %swap3A_929 = arith.index_cast %squeeze3A_884 : i32 to index
      %swap3A_930 = arith.constant 16 : index
      %swap3A_931 = tpu.vector_load %arg8[%swap3A_929, %swap3A_930] {strides = array<i32>} : memref<96x64xf32, #tpu.memory_space<vmem>>, vector<1x16xf32>,
      %swap3A_932 = vector.shape_cast %swap3A_931 : vector<1x16xf32> to vector<16xf32>
      %swap3A_933 = vector.shape_cast %add3A_905 : vector<16xf32> to vector<1x16xf32>
      tpu.vector_store %arg8[%swap3A_929, %swap3A_930], %swap3A_933 {strides = array<i32>} : memref<96x64xf32, #tpu.memory_space<vmem>>, vector<1x16xf32>,
      %swap3A_934 = arith.index_cast %squeeze3A_884 : i32 to index
      %swap3A_935 = arith.constant 32 : index
      %swap3A_936 = tpu.vector_load %arg8[%swap3A_934, %swap3A_935] {strides = array<i32>} : memref<96x64xf32, #tpu.memory_space<vmem>>, vector<1x16xf32>,
      %swap3A_937 = vector.shape_cast %swap3A_936 : vector<1x16xf32> to vector<16xf32>
      %swap3A_938 = vector.shape_cast %add3A_914 : vector<16xf32> to vector<1x16xf32>
      tpu.vector_store %arg8[%swap3A_934, %swap3A_935], %swap3A_938 {strides = array<i32>} : memref<96x64xf32, #tpu.memory_space<vmem>>, vector<1x16xf32>,
      %swap3A_939 = arith.index_cast %squeeze3A_884 : i32 to index
      %swap3A_940 = arith.constant 48 : index
      %swap3A_941 = tpu.vector_load %arg8[%swap3A_939, %swap3A_940] {strides = array<i32>} : memref<96x64xf32, #tpu.memory_space<vmem>>, vector<1x16xf32>,
      %swap3A_942 = vector.shape_cast %swap3A_941 : vector<1x16xf32> to vector<16xf32>
      %swap3A_943 = vector.shape_cast %add3A_923 : vector<16xf32> to vector<1x16xf32>
      tpu.vector_store %arg8[%swap3A_939, %swap3A_940], %swap3A_943 {strides = array<i32>} : memref<96x64xf32, #tpu.memory_space<vmem>>, vector<1x16xf32>,
      %slice3A_944 = vector.extract_strided_slice %get3A_31 {offsets = [15], sizes = [1], strides = [1]} : vector<16xi32> to vector<1xi32>
      %squeeze3A_945 = vector.extract %slice3A_944[0] : i32 from vector<1xi32>
      %eq3A_946 = arith.cmpi eq, %squeeze3A_945, %squeeze3A_884 : i32
      %convert_element_type3A_947 = arith.extui %eq3A_946 : i1 to i32
      %convert_element_type3A_948 = arith.sitofp %convert_element_type3A_947 : i32 to f32
      %mul3A_949 = vector.broadcast %convert_element_type3A_948 : f32 to vector<16xf32>
      %mul3A_950 = arith.mulf %add3A_896, %mul3A_949 : vector<16xf32>
      %add3A_951 = arith.constant 15 : i32
      %add3A_952 = arith.addi %mul3A_28, %add3A_951 : i32
      %get3A_953 = arith.index_cast %add3A_952 : i32 to index
      %get3A_954 = arith.constant 0 : index
      %get3A_955 = tpu.vector_load %arg6[%get3A_953, %get3A_954] {strides = array<i32>} : memref<256x64xf32, #tpu.memory_space<vmem>>, vector<1x16xf32>,
      %get3A_956 = vector.shape_cast %get3A_955 : vector<1x16xf32> to vector<16xf32>
      %add3A_957 = arith.addf %mul3A_950, %get3A_956 : vector<16xf32>
      %mul3A_958 = vector.broadcast %convert_element_type3A_948 : f32 to vector<16xf32>
      %mul3A_959 = arith.mulf %add3A_905, %mul3A_958 : vector<16xf32>
      %add3A_960 = arith.constant 15 : i32
      %add3A_961 = arith.addi %mul3A_28, %add3A_960 : i32
      %get3A_962 = arith.index_cast %add3A_961 : i32 to index
      %get3A_963 = arith.constant 16 : index
      %get3A_964 = tpu.vector_load %arg6[%get3A_962, %get3A_963] {strides = array<i32>} : memref<256x64xf32, #tpu.memory_space<vmem>>, vector<1x16xf32>,
      %get3A_965 = vector.shape_cast %get3A_964 : vector<1x16xf32> to vector<16xf32>
      %add3A_966 = arith.addf %mul3A_959, %get3A_965 : vector<16xf32>
      %mul3A_967 = vector.broadcast %convert_element_type3A_948 : f32 to vector<16xf32>
      %mul3A_968 = arith.mulf %add3A_914, %mul3A_967 : vector<16xf32>
      %add3A_969 = arith.constant 15 : i32
      %add3A_970 = arith.addi %mul3A_28, %add3A_969 : i32
      %get3A_971 = arith.index_cast %add3A_970 : i32 to index
      %get3A_972 = arith.constant 32 : index
      %get3A_973 = tpu.vector_load %arg6[%get3A_971, %get3A_972] {strides = array<i32>} : memref<256x64xf32, #tpu.memory_space<vmem>>, vector<1x16xf32>,
      %get3A_974 = vector.shape_cast %get3A_973 : vector<1x16xf32> to vector<16xf32>
      %add3A_975 = arith.addf %mul3A_968, %get3A_974 : vector<16xf32>
      %mul3A_976 = vector.broadcast %convert_element_type3A_948 : f32 to vector<16xf32>
      %mul3A_977 = arith.mulf %add3A_923, %mul3A_976 : vector<16xf32>
      %add3A_978 = arith.constant 15 : i32
      %add3A_979 = arith.addi %mul3A_28, %add3A_978 : i32
      %get3A_980 = arith.index_cast %add3A_979 : i32 to index
      %get3A_981 = arith.constant 48 : index
      %get3A_982 = tpu.vector_load %arg6[%get3A_980, %get3A_981] {strides = array<i32>} : memref<256x64xf32, #tpu.memory_space<vmem>>, vector<1x16xf32>,
      %get3A_983 = vector.shape_cast %get3A_982 : vector<1x16xf32> to vector<16xf32>
      %add3A_984 = arith.addf %mul3A_977, %get3A_983 : vector<16xf32>
      %swap3A_985 = arith.index_cast %squeeze3A_945 : i32 to index
      %swap3A_986 = arith.constant 0 : index
      %swap3A_987 = tpu.vector_load %arg8[%swap3A_985, %swap3A_986] {strides = array<i32>} : memref<96x64xf32, #tpu.memory_space<vmem>>, vector<1x16xf32>,
      %swap3A_988 = vector.shape_cast %swap3A_987 : vector<1x16xf32> to vector<16xf32>
      %swap3A_989 = vector.shape_cast %add3A_957 : vector<16xf32> to vector<1x16xf32>
      tpu.vector_store %arg8[%swap3A_985, %swap3A_986], %swap3A_989 {strides = array<i32>} : memref<96x64xf32, #tpu.memory_space<vmem>>, vector<1x16xf32>,
      %swap3A_990 = arith.index_cast %squeeze3A_945 : i32 to index
      %swap3A_991 = arith.constant 16 : index
      %swap3A_992 = tpu.vector_load %arg8[%swap3A_990, %swap3A_991] {strides = array<i32>} : memref<96x64xf32, #tpu.memory_space<vmem>>, vector<1x16xf32>,
      %swap3A_993 = vector.shape_cast %swap3A_992 : vector<1x16xf32> to vector<16xf32>
      %swap3A_994 = vector.shape_cast %add3A_966 : vector<16xf32> to vector<1x16xf32>
      tpu.vector_store %arg8[%swap3A_990, %swap3A_991], %swap3A_994 {strides = array<i32>} : memref<96x64xf32, #tpu.memory_space<vmem>>, vector<1x16xf32>,
      %swap3A_995 = arith.index_cast %squeeze3A_945 : i32 to index
      %swap3A_996 = arith.constant 32 : index
      %swap3A_997 = tpu.vector_load %arg8[%swap3A_995, %swap3A_996] {strides = array<i32>} : memref<96x64xf32, #tpu.memory_space<vmem>>, vector<1x16xf32>,
      %swap3A_998 = vector.shape_cast %swap3A_997 : vector<1x16xf32> to vector<16xf32>
      %swap3A_999 = vector.shape_cast %add3A_975 : vector<16xf32> to vector<1x16xf32>
      tpu.vector_store %arg8[%swap3A_995, %swap3A_996], %swap3A_999 {strides = array<i32>} : memref<96x64xf32, #tpu.memory_space<vmem>>, vector<1x16xf32>,
      %swap3A_1000 = arith.index_cast %squeeze3A_945 : i32 to index
      %swap3A_1001 = arith.constant 48 : index
      %swap3A_1002 = tpu.vector_load %arg8[%swap3A_1000, %swap3A_1001] {strides = array<i32>} : memref<96x64xf32, #tpu.memory_space<vmem>>, vector<1x16xf32>,
      %swap3A_1003 = vector.shape_cast %swap3A_1002 : vector<1x16xf32> to vector<16xf32>
      %swap3A_1004 = vector.shape_cast %add3A_984 : vector<16xf32> to vector<1x16xf32>
      tpu.vector_store %arg8[%swap3A_1000, %swap3A_1001], %swap3A_1004 {strides = array<i32>} : memref<96x64xf32, #tpu.memory_space<vmem>>, vector<1x16xf32>,
      scf.yield %squeeze3A_945, %add3A_957, %add3A_966, %add3A_975, %add3A_984 : i32, vector<16xf32>, vector<16xf32>, vector<16xf32>, vector<16xf32>
    }
    %scan3A_20 = arith.constant 16 : i32
    "tpu.region"() ({
      %run_scoped3A = tpu.sem_alloc : memref<!tpu.dma_semaphore, #tpu.memory_space<semaphore_mem>>
      %dma_start3A_21 = arith.constant 0 : i32
      %dma_start3A_22 = arith.constant 0 : i32
      %dma_start3A_23 = tpu.memref_slice %arg5[%add3A, %dma_start3A_21, %dma_start3A_22] : memref<32x96x64xf32, #tpu.memory_space<hbm>> -> memref<1x96x64xf32, #tpu.memory_space<hbm>>
      %dma_start3A_24 = tpu.memref_squeeze %dma_start3A_23 : memref<1x96x64xf32, #tpu.memory_space<hbm>> -> memref<96x64xf32, #tpu.memory_space<hbm>>
      %dma_start3A_25 = arith.constant 0 : i32
      %dma_start3A_26 = arith.constant 0 : i32
      %dma_start3A_27 = tpu.memref_slice %arg5[%add3A, %dma_start3A_25, %dma_start3A_26] : memref<32x96x64xf32, #tpu.memory_space<hbm>> -> memref<1x96x64xf32, #tpu.memory_space<hbm>>
      %dma_start3A_28 = tpu.memref_squeeze %dma_start3A_27 : memref<1x96x64xf32, #tpu.memory_space<hbm>> -> memref<96x64xf32, #tpu.memory_space<hbm>>
      tpu.enqueue_dma source(%arg8 : memref<96x64xf32, #tpu.memory_space<vmem>>) target(%dma_start3A_28 : memref<96x64xf32, #tpu.memory_space<hbm>>) target_semaphore(%run_scoped3A : memref<!tpu.dma_semaphore, #tpu.memory_space<semaphore_mem>>)
      %dma_wait3A_29 = arith.constant 0 : i32
      %dma_wait3A_30 = arith.constant 0 : i32
      %dma_wait3A_31 = tpu.memref_slice %arg5[%add3A, %dma_wait3A_29, %dma_wait3A_30] : memref<32x96x64xf32, #tpu.memory_space<hbm>> -> memref<1x96x64xf32, #tpu.memory_space<hbm>>
      %dma_wait3A_32 = tpu.memref_squeeze %dma_wait3A_31 : memref<1x96x64xf32, #tpu.memory_space<hbm>> -> memref<96x64xf32, #tpu.memory_space<hbm>>
      %dma_wait3A_33 = arith.constant 0 : i32
      %dma_wait3A_34 = arith.constant 0 : i32
      %dma_wait3A_35 = tpu.memref_slice %arg5[%add3A, %dma_wait3A_33, %dma_wait3A_34] : memref<32x96x64xf32, #tpu.memory_space<hbm>> -> memref<1x96x64xf32, #tpu.memory_space<hbm>>
      %dma_wait3A_36 = tpu.memref_squeeze %dma_wait3A_35 : memref<1x96x64xf32, #tpu.memory_space<hbm>> -> memref<96x64xf32, #tpu.memory_space<hbm>>
      tpu.wait_dma2 semaphore(%run_scoped3A : memref<!tpu.dma_semaphore, #tpu.memory_space<semaphore_mem>>) src(%arg8 : memref<96x64xf32, #tpu.memory_space<vmem>>) dst(%dma_wait3A_36 : memref<96x64xf32, #tpu.memory_space<hbm>>)
      tpu.yield
    }) : () -> ()
    return
  }
}

module attributes {stable_mosaic.version = 14 : i64} {
  func.func @_mlp_body(%arg0: memref<2048x128xf32, #tpu.memory_space<vmem>>, %arg1: memref<4096x128xf32, #tpu.memory_space<vmem>>, %arg2: memref<2048x128xf32, #tpu.memory_space<vmem>>, %arg3: memref<1x2048xi32, #tpu.memory_space<vmem>>, %arg4: memref<1x4096xi32, #tpu.memory_space<vmem>>, %arg5: memref<1x2048xi32, #tpu.memory_space<vmem>>, %arg6: memref<32x128xf32, #tpu.memory_space<vmem>>, %arg7: memref<1x32xf32, #tpu.memory_space<vmem>>, %arg8: memref<32x32xf32, #tpu.memory_space<vmem>>, %arg9: memref<1x32xf32, #tpu.memory_space<vmem>>, %arg10: memref<64x32xf32, #tpu.memory_space<vmem>>, %arg11: memref<1x64xf32, #tpu.memory_space<vmem>>, %arg12: memref<32x128xf32, #tpu.memory_space<vmem>>, %arg13: memref<1x32xf32, #tpu.memory_space<vmem>>, %arg14: memref<32x32xf32, #tpu.memory_space<vmem>>, %arg15: memref<1x32xf32, #tpu.memory_space<vmem>>, %arg16: memref<64x32xf32, #tpu.memory_space<vmem>>, %arg17: memref<1x64xf32, #tpu.memory_space<vmem>>, %arg18: memref<32x128xf32, #tpu.memory_space<vmem>>, %arg19: memref<1x32xf32, #tpu.memory_space<vmem>>, %arg20: memref<32x32xf32, #tpu.memory_space<vmem>>, %arg21: memref<1x32xf32, #tpu.memory_space<vmem>>, %arg22: memref<64x32xf32, #tpu.memory_space<vmem>>, %arg23: memref<1x64xf32, #tpu.memory_space<vmem>>, %arg24: memref<8192x64xf32, #tpu.memory_space<vmem>>, %arg25: memref<3x32xf32, #tpu.memory_space<vmem>>) attributes {dimension_semantics = [], scalar_prefetch = 0 : i64, scratch_operands = 0 : i64, tpu.core_type = #tpu.core_type<tc>} {
    %get3A = arith.constant 0 : index
    %get3A_0 = arith.constant 0 : index
    %get3A_1 = vector.load %arg0[%get3A, %get3A_0] : memref<2048x128xf32, #tpu.memory_space<vmem>>, vector<2048x128xf32>
    %get3A_2 = arith.constant 0 : index
    %get3A_3 = arith.constant 0 : index
    %get3A_4 = vector.load %arg6[%get3A_2, %get3A_3] : memref<32x128xf32, #tpu.memory_space<vmem>>, vector<32x128xf32>
    %get3A_5 = arith.constant 0 : index
    %get3A_6 = arith.constant 0 : index
    %get3A_7 = vector.load %arg7[%get3A_5, %get3A_6] : memref<1x32xf32, #tpu.memory_space<vmem>>, vector<1x32xf32>
    %get3A_8 = arith.constant 0 : index
    %get3A_9 = arith.constant 0 : index
    %get3A_10 = vector.load %arg8[%get3A_8, %get3A_9] : memref<32x32xf32, #tpu.memory_space<vmem>>, vector<32x32xf32>
    %get3A_11 = arith.constant 0 : index
    %get3A_12 = arith.constant 0 : index
    %get3A_13 = vector.load %arg9[%get3A_11, %get3A_12] : memref<1x32xf32, #tpu.memory_space<vmem>>, vector<1x32xf32>
    %get3A_14 = arith.constant 0 : index
    %get3A_15 = arith.constant 0 : index
    %get3A_16 = vector.load %arg10[%get3A_14, %get3A_15] : memref<64x32xf32, #tpu.memory_space<vmem>>, vector<64x32xf32>
    %get3A_17 = arith.constant 0 : index
    %get3A_18 = arith.constant 0 : index
    %get3A_19 = vector.load %arg11[%get3A_17, %get3A_18] : memref<1x64xf32, #tpu.memory_space<vmem>>, vector<1x64xf32>
    %dot_general3A = arith.constant dense<0.000000e+00> : vector<2048x32xf32>
    %dot_general3A_20 = tpu.matmul %get3A_1, %get3A_4, %dot_general3A {dimension_numbers = #tpu.dot_dimension_numbers<[1], [1], [0], [0], [0, 0, 1, 0], [], []>, transpose_lhs_hint = false} : vector<2048x128xf32>, vector<32x128xf32>, vector<2048x32xf32> -> vector<2048x32xf32>
    %add3A = vector.broadcast %get3A_7 : vector<1x32xf32> to vector<2048x32xf32>
    %add3A_21 = arith.addf %dot_general3A_20, %add3A : vector<2048x32xf32>
    %gt3A = arith.constant 0.000000e+00 : f32
    %gt3A_22 = vector.broadcast %gt3A : f32 to vector<2048x32xf32>
    %gt3A_23 = arith.cmpf ogt, %add3A_21, %gt3A_22 : vector<2048x32xf32>
    %mul3A = arith.constant 0.00999999977 : f32
    %mul3A_24 = vector.broadcast %mul3A : f32 to vector<2048x32xf32>
    %mul3A_25 = arith.mulf %mul3A_24, %add3A_21 : vector<2048x32xf32>
    %select_n3A = arith.select %gt3A_23, %add3A_21, %mul3A_25 : vector<2048x32xi1>, vector<2048x32xf32>
    %dot_general3A_26 = arith.constant dense<0.000000e+00> : vector<2048x32xf32>
    %dot_general3A_27 = tpu.matmul %select_n3A, %get3A_10, %dot_general3A_26 {dimension_numbers = #tpu.dot_dimension_numbers<[1], [1], [0], [0], [0, 0, 1, 0], [], []>, transpose_lhs_hint = false} : vector<2048x32xf32>, vector<32x32xf32>, vector<2048x32xf32> -> vector<2048x32xf32>
    %add3A_28 = vector.broadcast %get3A_13 : vector<1x32xf32> to vector<2048x32xf32>
    %add3A_29 = arith.addf %dot_general3A_27, %add3A_28 : vector<2048x32xf32>
    %gt3A_30 = arith.constant 0.000000e+00 : f32
    %gt3A_31 = vector.broadcast %gt3A_30 : f32 to vector<2048x32xf32>
    %gt3A_32 = arith.cmpf ogt, %add3A_29, %gt3A_31 : vector<2048x32xf32>
    %mul3A_33 = arith.constant 0.00999999977 : f32
    %mul3A_34 = vector.broadcast %mul3A_33 : f32 to vector<2048x32xf32>
    %mul3A_35 = arith.mulf %mul3A_34, %add3A_29 : vector<2048x32xf32>
    %select_n3A_36 = arith.select %gt3A_32, %add3A_29, %mul3A_35 : vector<2048x32xi1>, vector<2048x32xf32>
    %dot_general3A_37 = arith.constant dense<0.000000e+00> : vector<2048x64xf32>
    %dot_general3A_38 = tpu.matmul %select_n3A_36, %get3A_16, %dot_general3A_37 {dimension_numbers = #tpu.dot_dimension_numbers<[1], [1], [0], [0], [0, 0, 1, 0], [], []>, transpose_lhs_hint = false} : vector<2048x32xf32>, vector<64x32xf32>, vector<2048x64xf32> -> vector<2048x64xf32>
    %add3A_39 = vector.broadcast %get3A_19 : vector<1x64xf32> to vector<2048x64xf32>
    %add3A_40 = arith.addf %dot_general3A_38, %add3A_39 : vector<2048x64xf32>
    %swap3A = arith.constant 0 : index
    %swap3A_41 = arith.constant 0 : index
    %swap3A_42 = vector.load %arg24[%swap3A, %swap3A_41] : memref<8192x64xf32, #tpu.memory_space<vmem>>, vector<2048x64xf32>
    tpu.vector_store %arg24[%swap3A, %swap3A_41], %add3A_40 {strides = array<i32>} : memref<8192x64xf32, #tpu.memory_space<vmem>>, vector<2048x64xf32>,
    %get3A_43 = arith.constant 0 : index
    %get3A_44 = arith.constant 0 : index
    %get3A_45 = vector.load %arg1[%get3A_43, %get3A_44] : memref<4096x128xf32, #tpu.memory_space<vmem>>, vector<4096x128xf32>
    %get3A_46 = arith.constant 0 : index
    %get3A_47 = arith.constant 0 : index
    %get3A_48 = vector.load %arg12[%get3A_46, %get3A_47] : memref<32x128xf32, #tpu.memory_space<vmem>>, vector<32x128xf32>
    %get3A_49 = arith.constant 0 : index
    %get3A_50 = arith.constant 0 : index
    %get3A_51 = vector.load %arg13[%get3A_49, %get3A_50] : memref<1x32xf32, #tpu.memory_space<vmem>>, vector<1x32xf32>
    %get3A_52 = arith.constant 0 : index
    %get3A_53 = arith.constant 0 : index
    %get3A_54 = vector.load %arg14[%get3A_52, %get3A_53] : memref<32x32xf32, #tpu.memory_space<vmem>>, vector<32x32xf32>
    %get3A_55 = arith.constant 0 : index
    %get3A_56 = arith.constant 0 : index
    %get3A_57 = vector.load %arg15[%get3A_55, %get3A_56] : memref<1x32xf32, #tpu.memory_space<vmem>>, vector<1x32xf32>
    %get3A_58 = arith.constant 0 : index
    %get3A_59 = arith.constant 0 : index
    %get3A_60 = vector.load %arg16[%get3A_58, %get3A_59] : memref<64x32xf32, #tpu.memory_space<vmem>>, vector<64x32xf32>
    %get3A_61 = arith.constant 0 : index
    %get3A_62 = arith.constant 0 : index
    %get3A_63 = vector.load %arg17[%get3A_61, %get3A_62] : memref<1x64xf32, #tpu.memory_space<vmem>>, vector<1x64xf32>
    %dot_general3A_64 = arith.constant dense<0.000000e+00> : vector<4096x32xf32>
    %dot_general3A_65 = tpu.matmul %get3A_45, %get3A_48, %dot_general3A_64 {dimension_numbers = #tpu.dot_dimension_numbers<[1], [1], [0], [0], [0, 0, 1, 0], [], []>, transpose_lhs_hint = false} : vector<4096x128xf32>, vector<32x128xf32>, vector<4096x32xf32> -> vector<4096x32xf32>
    %add3A_66 = vector.broadcast %get3A_51 : vector<1x32xf32> to vector<4096x32xf32>
    %add3A_67 = arith.addf %dot_general3A_65, %add3A_66 : vector<4096x32xf32>
    %gt3A_68 = arith.constant 0.000000e+00 : f32
    %gt3A_69 = vector.broadcast %gt3A_68 : f32 to vector<4096x32xf32>
    %gt3A_70 = arith.cmpf ogt, %add3A_67, %gt3A_69 : vector<4096x32xf32>
    %mul3A_71 = arith.constant 0.00999999977 : f32
    %mul3A_72 = vector.broadcast %mul3A_71 : f32 to vector<4096x32xf32>
    %mul3A_73 = arith.mulf %mul3A_72, %add3A_67 : vector<4096x32xf32>
    %select_n3A_74 = arith.select %gt3A_70, %add3A_67, %mul3A_73 : vector<4096x32xi1>, vector<4096x32xf32>
    %dot_general3A_75 = arith.constant dense<0.000000e+00> : vector<4096x32xf32>
    %dot_general3A_76 = tpu.matmul %select_n3A_74, %get3A_54, %dot_general3A_75 {dimension_numbers = #tpu.dot_dimension_numbers<[1], [1], [0], [0], [0, 0, 1, 0], [], []>, transpose_lhs_hint = false} : vector<4096x32xf32>, vector<32x32xf32>, vector<4096x32xf32> -> vector<4096x32xf32>
    %add3A_77 = vector.broadcast %get3A_57 : vector<1x32xf32> to vector<4096x32xf32>
    %add3A_78 = arith.addf %dot_general3A_76, %add3A_77 : vector<4096x32xf32>
    %gt3A_79 = arith.constant 0.000000e+00 : f32
    %gt3A_80 = vector.broadcast %gt3A_79 : f32 to vector<4096x32xf32>
    %gt3A_81 = arith.cmpf ogt, %add3A_78, %gt3A_80 : vector<4096x32xf32>
    %mul3A_82 = arith.constant 0.00999999977 : f32
    %mul3A_83 = vector.broadcast %mul3A_82 : f32 to vector<4096x32xf32>
    %mul3A_84 = arith.mulf %mul3A_83, %add3A_78 : vector<4096x32xf32>
    %select_n3A_85 = arith.select %gt3A_81, %add3A_78, %mul3A_84 : vector<4096x32xi1>, vector<4096x32xf32>
    %dot_general3A_86 = arith.constant dense<0.000000e+00> : vector<4096x64xf32>
    %dot_general3A_87 = tpu.matmul %select_n3A_85, %get3A_60, %dot_general3A_86 {dimension_numbers = #tpu.dot_dimension_numbers<[1], [1], [0], [0], [0, 0, 1, 0], [], []>, transpose_lhs_hint = false} : vector<4096x32xf32>, vector<64x32xf32>, vector<4096x64xf32> -> vector<4096x64xf32>
    %add3A_88 = vector.broadcast %get3A_63 : vector<1x64xf32> to vector<4096x64xf32>
    %add3A_89 = arith.addf %dot_general3A_87, %add3A_88 : vector<4096x64xf32>
    %swap3A_90 = arith.constant 2048 : index
    %swap3A_91 = arith.constant 0 : index
    %swap3A_92 = vector.load %arg24[%swap3A_90, %swap3A_91] : memref<8192x64xf32, #tpu.memory_space<vmem>>, vector<4096x64xf32>
    tpu.vector_store %arg24[%swap3A_90, %swap3A_91], %add3A_89 {strides = array<i32>} : memref<8192x64xf32, #tpu.memory_space<vmem>>, vector<4096x64xf32>,
    %get3A_93 = arith.constant 0 : index
    %get3A_94 = arith.constant 0 : index
    %get3A_95 = vector.load %arg2[%get3A_93, %get3A_94] : memref<2048x128xf32, #tpu.memory_space<vmem>>, vector<2048x128xf32>
    %get3A_96 = arith.constant 0 : index
    %get3A_97 = arith.constant 0 : index
    %get3A_98 = vector.load %arg18[%get3A_96, %get3A_97] : memref<32x128xf32, #tpu.memory_space<vmem>>, vector<32x128xf32>
    %get3A_99 = arith.constant 0 : index
    %get3A_100 = arith.constant 0 : index
    %get3A_101 = vector.load %arg19[%get3A_99, %get3A_100] : memref<1x32xf32, #tpu.memory_space<vmem>>, vector<1x32xf32>
    %get3A_102 = arith.constant 0 : index
    %get3A_103 = arith.constant 0 : index
    %get3A_104 = vector.load %arg20[%get3A_102, %get3A_103] : memref<32x32xf32, #tpu.memory_space<vmem>>, vector<32x32xf32>
    %get3A_105 = arith.constant 0 : index
    %get3A_106 = arith.constant 0 : index
    %get3A_107 = vector.load %arg21[%get3A_105, %get3A_106] : memref<1x32xf32, #tpu.memory_space<vmem>>, vector<1x32xf32>
    %get3A_108 = arith.constant 0 : index
    %get3A_109 = arith.constant 0 : index
    %get3A_110 = vector.load %arg22[%get3A_108, %get3A_109] : memref<64x32xf32, #tpu.memory_space<vmem>>, vector<64x32xf32>
    %get3A_111 = arith.constant 0 : index
    %get3A_112 = arith.constant 0 : index
    %get3A_113 = vector.load %arg23[%get3A_111, %get3A_112] : memref<1x64xf32, #tpu.memory_space<vmem>>, vector<1x64xf32>
    %dot_general3A_114 = arith.constant dense<0.000000e+00> : vector<2048x32xf32>
    %dot_general3A_115 = tpu.matmul %get3A_95, %get3A_98, %dot_general3A_114 {dimension_numbers = #tpu.dot_dimension_numbers<[1], [1], [0], [0], [0, 0, 1, 0], [], []>, transpose_lhs_hint = false} : vector<2048x128xf32>, vector<32x128xf32>, vector<2048x32xf32> -> vector<2048x32xf32>
    %add3A_116 = vector.broadcast %get3A_101 : vector<1x32xf32> to vector<2048x32xf32>
    %add3A_117 = arith.addf %dot_general3A_115, %add3A_116 : vector<2048x32xf32>
    %gt3A_118 = arith.constant 0.000000e+00 : f32
    %gt3A_119 = vector.broadcast %gt3A_118 : f32 to vector<2048x32xf32>
    %gt3A_120 = arith.cmpf ogt, %add3A_117, %gt3A_119 : vector<2048x32xf32>
    %mul3A_121 = arith.constant 0.00999999977 : f32
    %mul3A_122 = vector.broadcast %mul3A_121 : f32 to vector<2048x32xf32>
    %mul3A_123 = arith.mulf %mul3A_122, %add3A_117 : vector<2048x32xf32>
    %select_n3A_124 = arith.select %gt3A_120, %add3A_117, %mul3A_123 : vector<2048x32xi1>, vector<2048x32xf32>
    %dot_general3A_125 = arith.constant dense<0.000000e+00> : vector<2048x32xf32>
    %dot_general3A_126 = tpu.matmul %select_n3A_124, %get3A_104, %dot_general3A_125 {dimension_numbers = #tpu.dot_dimension_numbers<[1], [1], [0], [0], [0, 0, 1, 0], [], []>, transpose_lhs_hint = false} : vector<2048x32xf32>, vector<32x32xf32>, vector<2048x32xf32> -> vector<2048x32xf32>
    %add3A_127 = vector.broadcast %get3A_107 : vector<1x32xf32> to vector<2048x32xf32>
    %add3A_128 = arith.addf %dot_general3A_126, %add3A_127 : vector<2048x32xf32>
    %gt3A_129 = arith.constant 0.000000e+00 : f32
    %gt3A_130 = vector.broadcast %gt3A_129 : f32 to vector<2048x32xf32>
    %gt3A_131 = arith.cmpf ogt, %add3A_128, %gt3A_130 : vector<2048x32xf32>
    %mul3A_132 = arith.constant 0.00999999977 : f32
    %mul3A_133 = vector.broadcast %mul3A_132 : f32 to vector<2048x32xf32>
    %mul3A_134 = arith.mulf %mul3A_133, %add3A_128 : vector<2048x32xf32>
    %select_n3A_135 = arith.select %gt3A_131, %add3A_128, %mul3A_134 : vector<2048x32xi1>, vector<2048x32xf32>
    %dot_general3A_136 = arith.constant dense<0.000000e+00> : vector<2048x64xf32>
    %dot_general3A_137 = tpu.matmul %select_n3A_135, %get3A_110, %dot_general3A_136 {dimension_numbers = #tpu.dot_dimension_numbers<[1], [1], [0], [0], [0, 0, 1, 0], [], []>, transpose_lhs_hint = false} : vector<2048x32xf32>, vector<64x32xf32>, vector<2048x64xf32> -> vector<2048x64xf32>
    %add3A_138 = vector.broadcast %get3A_113 : vector<1x64xf32> to vector<2048x64xf32>
    %add3A_139 = arith.addf %dot_general3A_137, %add3A_138 : vector<2048x64xf32>
    %swap3A_140 = arith.constant 6144 : index
    %swap3A_141 = arith.constant 0 : index
    %swap3A_142 = vector.load %arg24[%swap3A_140, %swap3A_141] : memref<8192x64xf32, #tpu.memory_space<vmem>>, vector<2048x64xf32>
    tpu.vector_store %arg24[%swap3A_140, %swap3A_141], %add3A_139 {strides = array<i32>} : memref<8192x64xf32, #tpu.memory_space<vmem>>, vector<2048x64xf32>,
    %get3A_143 = arith.constant 0 : index
    %get3A_144 = arith.constant 0 : index
    %get3A_145 = vector.load %arg3[%get3A_143, %get3A_144] : memref<1x2048xi32, #tpu.memory_space<vmem>>, vector<1x2048xi32>
    %iota3A = tpu.iota {dimensions = array<i32: 0>} : vector<32x2048xi32>
    %eq3A = vector.broadcast %get3A_145 : vector<1x2048xi32> to vector<32x2048xi32>
    %eq3A_146 = arith.cmpi eq, %iota3A, %eq3A : vector<32x2048xi32>
    %convert_element_type3A = arith.extui %eq3A_146 : vector<32x2048xi1> to vector<32x2048xi32>
    %convert_element_type3A_147 = arith.sitofp %convert_element_type3A : vector<32x2048xi32> to vector<32x2048xf32>
    %reduce_sum3A = arith.constant dense<0.000000e+00> : vector<32xf32>
    %reduce_sum3A_148 = vector.multi_reduction <add>, %convert_element_type3A_147, %reduce_sum3A [1] : vector<32x2048xf32> to vector<32xf32>
    %get3A_149 = arith.constant 0 : index
    %get3A_150 = arith.constant 0 : index
    %get3A_151 = vector.load %arg4[%get3A_149, %get3A_150] : memref<1x4096xi32, #tpu.memory_space<vmem>>, vector<1x4096xi32>
    %iota3A_152 = tpu.iota {dimensions = array<i32: 0>} : vector<32x4096xi32>
    %eq3A_153 = vector.broadcast %get3A_151 : vector<1x4096xi32> to vector<32x4096xi32>
    %eq3A_154 = arith.cmpi eq, %iota3A_152, %eq3A_153 : vector<32x4096xi32>
    %convert_element_type3A_155 = arith.extui %eq3A_154 : vector<32x4096xi1> to vector<32x4096xi32>
    %convert_element_type3A_156 = arith.sitofp %convert_element_type3A_155 : vector<32x4096xi32> to vector<32x4096xf32>
    %reduce_sum3A_157 = arith.constant dense<0.000000e+00> : vector<32xf32>
    %reduce_sum3A_158 = vector.multi_reduction <add>, %convert_element_type3A_156, %reduce_sum3A_157 [1] : vector<32x4096xf32> to vector<32xf32>
    %get3A_159 = arith.constant 0 : index
    %get3A_160 = arith.constant 0 : index
    %get3A_161 = vector.load %arg5[%get3A_159, %get3A_160] : memref<1x2048xi32, #tpu.memory_space<vmem>>, vector<1x2048xi32>
    %iota3A_162 = tpu.iota {dimensions = array<i32: 0>} : vector<32x2048xi32>
    %eq3A_163 = vector.broadcast %get3A_161 : vector<1x2048xi32> to vector<32x2048xi32>
    %eq3A_164 = arith.cmpi eq, %iota3A_162, %eq3A_163 : vector<32x2048xi32>
    %convert_element_type3A_165 = arith.extui %eq3A_164 : vector<32x2048xi1> to vector<32x2048xi32>
    %convert_element_type3A_166 = arith.sitofp %convert_element_type3A_165 : vector<32x2048xi32> to vector<32x2048xf32>
    %reduce_sum3A_167 = arith.constant dense<0.000000e+00> : vector<32xf32>
    %reduce_sum3A_168 = vector.multi_reduction <add>, %convert_element_type3A_166, %reduce_sum3A_167 [1] : vector<32x2048xf32> to vector<32xf32>
    %stack3A = vector.shape_cast %reduce_sum3A_148 : vector<32xf32> to vector<1x32xf32>
    %stack3A_169 = vector.shape_cast %reduce_sum3A_158 : vector<32xf32> to vector<1x32xf32>
    %stack3A_170 = vector.shape_cast %reduce_sum3A_168 : vector<32xf32> to vector<1x32xf32>
    %stack3A_171 = tpu.concatenate %stack3A, %stack3A_169, %stack3A_170 in 0 : vector<1x32xf32>, vector<1x32xf32>, vector<1x32xf32> -> vector<3x32xf32>
    %swap3A_172 = arith.constant 0 : index
    %swap3A_173 = arith.constant 0 : index
    %swap3A_174 = vector.load %arg25[%swap3A_172, %swap3A_173] : memref<3x32xf32, #tpu.memory_space<vmem>>, vector<3x32xf32>
    tpu.vector_store %arg25[%swap3A_172, %swap3A_173], %stack3A_171 {strides = array<i32>} : memref<3x32xf32, #tpu.memory_space<vmem>>, vector<3x32xf32>,
    return
  }
}

module attributes {stable_mosaic.version = 14 : i64} {
  func.func @_head_body(%arg0: memref<32x96x64xf32, #tpu.memory_space<vmem>>, %arg1: memref<3x32xf32, #tpu.memory_space<vmem>>, %arg2: memref<64x192xf32, #tpu.memory_space<vmem>>, %arg3: memref<1x64xf32, #tpu.memory_space<vmem>>, %arg4: memref<32x64xf32, #tpu.memory_space<vmem>>) attributes {dimension_semantics = [], scalar_prefetch = 0 : i64, scratch_operands = 0 : i64, tpu.core_type = #tpu.core_type<tc>} {
    %get3A = arith.constant 0 : index
    %get3A_0 = arith.constant 0 : index
    %get3A_1 = arith.constant 0 : index
    %get3A_2 = vector.load %arg0[%get3A, %get3A_0, %get3A_1] : memref<32x96x64xf32, #tpu.memory_space<vmem>>, vector<32x96x64xf32>
    %reduce_sum3A = arith.constant dense<0.000000e+00> : vector<96x64xf32>
    %reduce_sum3A_3 = vector.multi_reduction <add>, %get3A_2, %reduce_sum3A [0] : vector<32x96x64xf32> to vector<96x64xf32>
    %get3A_4 = arith.constant 0 : index
    %get3A_5 = arith.constant 0 : index
    %get3A_6 = vector.load %arg1[%get3A_4, %get3A_5] : memref<3x32xf32, #tpu.memory_space<vmem>>, vector<3x32xf32>
    %max3A = arith.constant 1.000000e+00 : f32
    %max3A_7 = vector.broadcast %max3A : f32 to vector<3x32xf32>
    %max3A_8 = arith.maximumf %get3A_6, %max3A_7 : vector<3x32xf32>
    %slice3A = vector.extract_strided_slice %reduce_sum3A_3 {offsets = [0, 0], sizes = [32, 64], strides = [1, 1]} : vector<96x64xf32> to vector<32x64xf32>
    %slice3A_9 = vector.extract_strided_slice %max3A_8 {offsets = [0, 0], sizes = [1, 32], strides = [1, 1]} : vector<3x32xf32> to vector<1x32xf32>
    %squeeze3A = vector.shape_cast %slice3A_9 : vector<1x32xf32> to vector<32xf32>
    %broadcast_in_dim3A = vector.shape_cast %squeeze3A : vector<32xf32> to vector<32x1xf32>
    %div3A = vector.broadcast %broadcast_in_dim3A : vector<32x1xf32> to vector<32x64xf32>
    %div3A_10 = arith.divf %slice3A, %div3A : vector<32x64xf32>
    %slice3A_11 = vector.extract_strided_slice %reduce_sum3A_3 {offsets = [32, 0], sizes = [32, 64], strides = [1, 1]} : vector<96x64xf32> to vector<32x64xf32>
    %slice3A_12 = vector.extract_strided_slice %max3A_8 {offsets = [1, 0], sizes = [1, 32], strides = [1, 1]} : vector<3x32xf32> to vector<1x32xf32>
    %squeeze3A_13 = vector.shape_cast %slice3A_12 : vector<1x32xf32> to vector<32xf32>
    %broadcast_in_dim3A_14 = vector.shape_cast %squeeze3A_13 : vector<32xf32> to vector<32x1xf32>
    %div3A_15 = vector.broadcast %broadcast_in_dim3A_14 : vector<32x1xf32> to vector<32x64xf32>
    %div3A_16 = arith.divf %slice3A_11, %div3A_15 : vector<32x64xf32>
    %slice3A_17 = vector.extract_strided_slice %reduce_sum3A_3 {offsets = [64, 0], sizes = [32, 64], strides = [1, 1]} : vector<96x64xf32> to vector<32x64xf32>
    %slice3A_18 = vector.extract_strided_slice %max3A_8 {offsets = [2, 0], sizes = [1, 32], strides = [1, 1]} : vector<3x32xf32> to vector<1x32xf32>
    %squeeze3A_19 = vector.shape_cast %slice3A_18 : vector<1x32xf32> to vector<32xf32>
    %broadcast_in_dim3A_20 = vector.shape_cast %squeeze3A_19 : vector<32xf32> to vector<32x1xf32>
    %div3A_21 = vector.broadcast %broadcast_in_dim3A_20 : vector<32x1xf32> to vector<32x64xf32>
    %div3A_22 = arith.divf %slice3A_17, %div3A_21 : vector<32x64xf32>
    %concatenate3A = tpu.concatenate %div3A_10, %div3A_16, %div3A_22 in 1 : vector<32x64xf32>, vector<32x64xf32>, vector<32x64xf32> -> vector<32x192xf32>
    %get3A_23 = arith.constant 0 : index
    %get3A_24 = arith.constant 0 : index
    %get3A_25 = vector.load %arg2[%get3A_23, %get3A_24] : memref<64x192xf32, #tpu.memory_space<vmem>>, vector<64x192xf32>
    %dot_general3A = arith.constant dense<0.000000e+00> : vector<32x64xf32>
    %dot_general3A_26 = tpu.matmul %concatenate3A, %get3A_25, %dot_general3A {dimension_numbers = #tpu.dot_dimension_numbers<[1], [1], [0], [0], [0, 0, 1, 0], [], []>, transpose_lhs_hint = false} : vector<32x192xf32>, vector<64x192xf32>, vector<32x64xf32> -> vector<32x64xf32>
    %get3A_27 = arith.constant 0 : index
    %get3A_28 = arith.constant 0 : index
    %get3A_29 = vector.load %arg3[%get3A_27, %get3A_28] : memref<1x64xf32, #tpu.memory_space<vmem>>, vector<1x64xf32>
    %add3A = vector.broadcast %get3A_29 : vector<1x64xf32> to vector<32x64xf32>
    %add3A_30 = arith.addf %dot_general3A_26, %add3A : vector<32x64xf32>
    %reduce_max3A = arith.constant dense<0xFF800000> : vector<32xf32>
    %reduce_max3A_31 = vector.multi_reduction <maximumf>, %add3A_30, %reduce_max3A [1] : vector<32x64xf32> to vector<32xf32>
    %broadcast_in_dim3A_32 = vector.shape_cast %reduce_max3A_31 : vector<32xf32> to vector<32x1xf32>
    %sub3A = vector.broadcast %broadcast_in_dim3A_32 : vector<32x1xf32> to vector<32x64xf32>
    %sub3A_33 = arith.subf %add3A_30, %sub3A : vector<32x64xf32>
    %exp3A = math.exp %sub3A_33 : vector<32x64xf32>
    %reduce_sum3A_34 = arith.constant dense<0.000000e+00> : vector<32xf32>
    %reduce_sum3A_35 = vector.multi_reduction <add>, %exp3A, %reduce_sum3A_34 [1] : vector<32x64xf32> to vector<32xf32>
    %broadcast_in_dim3A_36 = vector.shape_cast %reduce_sum3A_35 : vector<32xf32> to vector<32x1xf32>
    %div3A_37 = vector.broadcast %broadcast_in_dim3A_36 : vector<32x1xf32> to vector<32x64xf32>
    %div3A_38 = arith.divf %exp3A, %div3A_37 : vector<32x64xf32>
    %swap3A = arith.constant 0 : index
    %swap3A_39 = arith.constant 0 : index
    %swap3A_40 = vector.load %arg4[%swap3A, %swap3A_39] : memref<32x64xf32, #tpu.memory_space<vmem>>, vector<32x64xf32>
    tpu.vector_store %arg4[%swap3A, %swap3A_39], %div3A_38 {strides = array<i32>} : memref<32x64xf32, #tpu.memory_space<vmem>>, vector<32x64xf32>,
    return
  }
}

</mosaic_0001>

<sc_bundles>
// kernel: kernel.5.cloned.1.call-start
scs
__scs_entry_jumppad:
0x0: {  	(pc) =	sbr.rel $0x88, $3  }
0x1: {  	(tag) =	ssettag $0x0;
	lr =	simm.s32 $0x1  }
0x2: {  	[smem:$0x3F87] =	sst lr;
	_ =	strace $0xD0000000  }
0x3: {  	_ = 	snop  }
0x4: {  	_ = 	snop  }
0x5: {  	_ = 	snop  }
0x6: {  	_ = 	snop  }
0x7: {  	_ = 	snop  }
__scs_overlays_trampoline_lowered:
0x8: {  	[smem:$0x3F96] =	sst s0  }
0x9: {  	[smem:$0x3F97] =	sst s1  }
0xa: {  	[smem:$0x3F98] =	sst s2  }
0xb: {  	[smem:$0x3F99] =	sst s3  }
0xc: {  	[smem:$0x3F9A] =	sst s4  }
0xd: {  	[smem:$0x3F9B] =	sst s5  }
0xe: {  	[smem:$0x3F9C] =	sst s6  }
0xf: {  	[smem:$0x3F9D] =	sst s7  }
0x10: {  	[smem:$0x3F9E] =	sst s8  }
0x11: {  	[smem:$0x3F9F] =	sst s9;
	s0 =	simm.s32 @!p0 $0x0  }
0x12: {  	s1 =	sld [smem:$0x3F85];
	s0 =	simm.s32 @p0 $0x1  }
0x13: {  	[smem:$0x3FA0] =	sst s0;
	s0 =	simm.s32 @!p1 $0x0  }
0x14: {  	s2 =	sld [smem:$0x3F84];
	s0 =	simm.s32 @p1 $0x1  }
0x15: {  	[smem:$0x3FA1] =	sst s0;
	s0 =	simm.s32 @!p2 $0x0  }
0x16: {  	s3 =	sld [smem:$0x3FDB];
	s0 =	simm.s32 @p2 $0x1  }
0x17: {  	s4 =	simm.s32 $0x1BF5;
	[smem:$0x3FA3] =	sst s0  }
0x18: {  	s0 =	sld [smem:$0x3F86];
	_ =	swait.ge [sflag:s4], $0x0  }
0x19: {  	s7 =	sld [smem:$0x3F87]  }
0x1a: {  	s8 =	sadd.s32 $0xFFFFE003, lr  }
0x1b: {  	s9 =	sadd.s32 $0xFFFFFEF7, lr;
	s5 =	simm.s32 $0xFFFFFFFF;
	p2 =	slt.u32 s8, $0xFFFFF086  }
0x1c: {  	p1 =	slt.u32 s9, $0xF7A;
	s5 =	simm.s32 @!p2 $0x0  }
0x1d: {  	s5 =	simm.s32 @p1 $0x1;
	p0 =	seq.s32 s7, s2  }
0x1e: {  	s7 =	smul.u32 @!p0 $0xF7A, s2;
	p2 =	seq.s32 @!p0 s5, $0x0  }
0x1f: {  	s9 =	smul.u32 $0xF7A, s1;
	s8 =	simm.s32 @!p0 $0x1BF5;
	p2 =	por !p2, p0  }
0x20: {  	[sflag:s8] =	ssyncset.s32 @!p0 $0xFFFFF086;
	s6 =	sadd.s32 @!p0 s3, s7;
	s7 =	simm.s32 @!p0 $0x108  }
0x21: {  	s3 =	sadd.s32 s3, s9;
	s6 =	sadd.s32 @!p0 $0x88, s6;
	s7 =	simm.s32 @p2 $0x1082  }
0x22: {  	[simem:s7], [sflag:s8] =	dma.local @!p0 [hbm:s6], $0xF7A  }
0x23: {  	s9 =	sor.u32 $0xD0000000, s2;
	s6 =	simm.s32 $0x108;
	_ =	swait.ge @!p0 [sflag:s8], $0x0  }
0x24: {  	s3 =	sadd.s32 $0x88, s3;
	s6 =	simm.s32 @!p1 $0x1082;
	[sflag:s4] =	ssyncset.s32 $0xFFFFF086  }
0x25: {  	[simem:s6], [sflag:s4] =	dma.local [hbm:s3], $0xF7A  }
0x26: {  	[smem:$0x3F87] =	sst s1;
	(tag) =	ssettag s2;
	_ =	strace s9  }
0x27: {  	s1 =	sld [smem:$0x3F97]  }
0x28: {  	s2 =	sld [smem:$0x3F98]  }
0x29: {  	s4 =	sld [smem:$0x3F9A]  }
0x2a: {  	p0 =	seq.s32 s5, $0x0;
	s5 =	sld [smem:$0x3F9B]  }
0x2b: {  	s6 =	sld [smem:$0x3F9C]  }
0x2c: {  	s7 =	sld [smem:$0x3F9D]  }
0x2d: {  	s3 =	simm.s32 $0x108;
	s8 =	sld [smem:$0x3F9E]  }
0x2e: {  	s3 =	simm.s32 @!p0 $0x1082;
	s9 =	sld [smem:$0x3F9F]  }
0x2f: {  	lr =	sadd.s32 s0, s3;
	s0 =	sld [smem:$0x3F96]  }
0x30: {  	s3 =	sld [smem:$0x3F99]  }
0x31: {  	[smem:$0x3FA2] =	sst s10  }
0x32: {  	s10 =	sld [smem:$0x3FA0];
	_ =	sdelay $0x3  }
0x33: {  	p0 =	seq.s32 s10, $0x1;
	s10 =	sld [smem:$0x3FA2];
	_ =	sdelay $0x3  }
0x34: {  	[smem:$0x3FA2] =	sst s10  }
0x35: {  	s10 =	sld [smem:$0x3FA1];
	_ =	sdelay $0x3  }
0x36: {  	p1 =	seq.s32 s10, $0x1;
	s10 =	sld [smem:$0x3FA2];
	_ =	sdelay $0x3  }
0x37: {  	[smem:$0x3FA2] =	sst s10  }
0x38: {  	s10 =	sld [smem:$0x3FA3]  }
0x39: {  	_ = 	snop;
	(pc) =	sbr.ind lr, $3  }
0x3a: {  	_ = 	snop  }
0x3b: {  	_ = 	snop  }
0x3c: {  	p2 =	seq.s32 s10, $0x1;
	s10 =	sld [smem:$0x3FA2]  }
0x3d: {  	_ =	shalt  }
0x3e: {  	_ =	shalt  }
0x3f: {  	_ =	shalt  }
0x40: {  	_ =	shalt  }
0x41: {  	_ =	shalt  }
0x42: {  	_ =	shalt  }
0x43: {  	_ =	shalt  }
0x44: {  	_ =	shalt  }
0x45: {  	_ =	shalt  }
0x46: {  	_ =	shalt  }
0x47: {  	_ =	shalt  }
0x48: {  	_ =	shalt  }
0x49: {  	_ =	shalt  }
0x4a: {  	_ =	shalt  }
0x4b: {  	_ =	shalt  }
0x4c: {  	_ =	shalt  }
0x4d: {  	_ =	shalt  }
0x4e: {  	_ =	shalt  }
0x4f: {  	_ =	shalt  }
0x50: {  	_ =	shalt  }
0x51: {  	_ =	shalt  }
0x52: {  	_ =	shalt  }
0x53: {  	_ =	shalt  }
0x54: {  	_ =	shalt  }
0x55: {  	_ =	shalt  }
0x56: {  	_ =	shalt  }
0x57: {  	_ =	shalt  }
0x58: {  	_ =	shalt  }
0x59: {  	_ =	shalt  }
0x5a: {  	_ =	shalt  }
0x5b: {  	_ =	shalt  }
0x5c: {  	_ =	shalt  }
0x5d: {  	_ =	shalt  }
0x5e: {  	_ =	shalt  }
0x5f: {  	_ =	shalt  }
0x60: {  	_ =	shalt  }
0x61: {  	_ =	shalt  }
0x62: {  	_ =	shalt  }
0x63: {  	_ =	shalt  }
0x64: {  	_ =	shalt  }
0x65: {  	_ =	shalt  }
0x66: {  	_ =	shalt  }
0x67: {  	_ =	shalt  }
0x68: {  	_ =	shalt  }
0x69: {  	_ =	shalt  }
0x6a: {  	_ =	shalt  }
0x6b: {  	_ =	shalt  }
0x6c: {  	_ =	shalt  }
0x6d: {  	_ =	shalt  }
0x6e: {  	_ =	shalt  }
0x6f: {  	_ =	shalt  }
0x70: {  	_ =	shalt  }
0x71: {  	_ =	shalt  }
0x72: {  	_ =	shalt  }
0x73: {  	_ =	shalt  }
0x74: {  	_ =	shalt  }
0x75: {  	_ =	shalt  }
0x76: {  	_ =	shalt  }
0x77: {  	_ =	shalt  }
0x78: {  	_ =	shalt  }
0x79: {  	_ =	shalt  }
0x7a: {  	_ =	shalt  }
0x7b: {  	_ =	shalt  }
0x7c: {  	_ =	shalt  }
0x7d: {  	_ =	shalt  }
0x7e: {  	_ =	shalt  }
0x7f: {  	_ =	shalt  }
0x80: {  	_ =	shalt  }
0x81: {  	_ =	shalt  }
0x82: {  	_ =	shalt  }
0x83: {  	_ =	shalt  }
0x84: {  	_ =	shalt  }
0x85: {  	_ =	shalt  }
0x86: {  	_ =	shalt  }
0x87: {  	_ =	shalt  }
.Lfunc_end0:
.L_simem_size_0:
called_computation_lowered:
.L_overlay_start_0:
0x88: {  	s2 =	sld [smem:$0x3FD9]  }
0x89: {  	s3 =	sld [smem:$0x3FFE];
	_ =	sdelay $0x1  }
0x8a: {  	s1 =	srdreg.scid  }
0x8b: {  	s0 =	sand.u32 $0x1, s1  }
0x8c: {  	s16 =	sshll.u32 s0, $0xA;
	s2 =	sadd.s32 s3, s2  }
0x8d: {  	s2 =	sadd.s32 s2, s16  }
0x8e: {  	[smem:$0x3FAE] =	sst s2  }
0x8f: {  	_ = 	snop  }
0x90: {  	(tm) =	ssettm $0x1  }
0x91: {  	s17 =	sld [smem:$0x3FFB];
	_ =	sdelay $0x3  }
0x92: {  	_ =	strace s17  }
0x93: {  	s2 =	sld [smem:$0x3FFC];
	_ =	sdelay $0x3  }
0x94: {  	_ =	strace s2  }
0x95: {  	s2 =	sld [smem:$0x3FFD];
	_ =	sdelay $0x3  }
0x96: {  	_ =	strace s2  }
0x97: {  	_ =	strace $0x8FFFFFFF  }
0x98: {  	s18 =	sld [smem:$0x3FDB];
	_ =	sdelay $0x1  }
0x99: {  	s19 =	simm.s32 $_scs_section_size  }
0x9a: {  	s4 =	simm.s32 $_size__tile_overlayer_lowered;
	s5 =	simm.s32 $_tile_overlayer_lowered  }
0x9b: {  	s22 =	simm.s32 $0x1BFF;
	s21 =	sshll.u32 s5, $0x1;
	s2 =	sadd.s32 s19, s18  }
0x9c: {  	s6 =	simm.s32 $0x0;
	s20 =	sshll.u32 s4, $0x1;
	s4 =	sadd.s32 s21, s2  }
0x9d: {  	[timem:s6], [sflag:s22] =	dma.local [hbm:s4], s20  }
0x9e: {  	_ =	swait.ge [sflag:s22], s20  }
0x9f: {  	s3 =	ssub.s32 $0x0, s20;
	[sflag:s22] =	ssyncset.done $0x0  }
0xa0: {  	[sflag:s22] =	ssyncadd.s32 s3;
	_ =	sdelay $0x1  }
0xa1: {  	s23 =	simm.s32 $0x1B8B  }
0xa2: {  	_ =	swait.ge [sflag:s23], $0x1  }
0xa3: {  	[sflag:s23] =	ssyncset.done $0x0  }
0xa4: {  	s25 =	simm.s32 $0x1B8E;
	s24 =	sld [smem:$0x3FFE];
	[sflag:s23] =	ssyncadd.s32 $0xFFFFFFFF  }
0xa5: {  	s26 =	simm.s32 $execute0_lowered;
	[smem:$0x3FD2] =	sst s25  }
0xa6: {  	s4 =	sshll.u32 s26, $0x1;
	_ =	strace $0x80000046;
	[dreg:$0x1] =	wrdreg $0xFFFFFFFF  }
0xa7: {  	s28 =	simm.s32 $_size_execute0_lowered;
	s2 =	sadd.s32 s2, s4;
	[dreg:$0x0] =	wrdreg $0x0  }
0xa8: {  	s4 =	sshll.u32 s28, $0x1;
	[dreg:$0x2] =	wrdreg s2  }
0xa9: {  	[dreg:$0x3] =	wrdreg s4  }
0xaa: {  	[dreg:$0x4] =	wrdreg $0xC0  }
0xab: {  	_ =	task [dreg:s6], $0x5FFFF  }
0xac: {  	[dreg:$0x1] =	wrdreg $0xFFFFFFFF  }
0xad: {  	[dreg:$0x0] =	wrdreg $0x60  }
0xae: {  	[dreg:$0x2] =	wrdreg s24  }
0xaf: {  	[dreg:$0x3] =	wrdreg $0x9  }
0xb0: {  	_ =	task.clear_ibuf [dreg:s6], $0x4FFFF;
	_ =	strace $0x90000046  }
0xb1: {  	s29 =	simm.s32 $0x9;
	_ =	strace $0x80000048  }
0xb2: {  	_ =	swait.ge [sflag:s29], $0x1  }
0xb3: {  	[sflag:s29] =	ssyncadd.s32 $0xFFFFFFFF  }
0xb4: {  	_ =	strace $0x90000048  }
0xb5: {  	_ =	sfence  }
0xb6: {  	s30 =	sld [smem:$0x0];
	_ =	sdelay $0x2  }
0xb7: {  	s31 =	sshll.u32 s1, $0xD;
	s1 =	sshrl.u32 s1, $0x2  }
0xb8: {  	s3 =	sand.u32 $0x4000, s31;
	s1 =	sadd.s32 s1, s30  }
0xb9: {  	s0 =	sor.u32 s3, s0;
	s1 =	sshll.u32 s1, $0x11  }
0xba: {  	s0 =	sor.u32 s1, s0  }
0xbb: {  	s0 =	sadd.s32 $0x8F2B, s0  }
0xbc: {  	[sflag:s0] =	ssyncadd.remote.s32 $0x1  }
0xbd: {  	_ =	sfence.sel $0xFFFF  }
0xbe: {  	[dreg:$0x0] =	wrdreg $0xFFFFFFFF;
	(pc) =	sbr.abs _section_cstart, $3  }
0xbf: {  	[dreg:$0x1] =	wrdreg $0xFFFFFFFF  }
0xc0: {  	_ =	task.clear_ibuf [dreg:s6], $0x2FFFF;
	_ =	strace $0x9FFFFFFF  }
0xc1: {  	(tm) =	ssettm $0x7FFFFFFF  }
tec
execute0_lowered:
.L_overlay_start_1:
0x0: {  	(tag) =	ssettag $0x1  }
0x1: {  	s4 =	rddreg [dreg:$0x0]  }
0x2: {  	s0 =	rddreg [dreg:$0x1];
	s2 =	simm.s32 $0x0;
	s3 =	srdreg.scid  }
0x3: {  	s1 =	stileid.u32;
	s10 =	simm.s32 $0x1;
	s11 =	simm.s32 $0x2  }
0x4: {  	s12 =	simm.s32 $0x3;
	s13 =	simm.s32 $0x4;
	s14 =	simm.s32 $0x0  }
0x5: {  	[smem:$0x7FF] =	sst s2;
	s3 =	sand.u32 $0x1, s3;
	s5 =	sshll.u32 s1, $0x1  }
0x6: {  	_ =	strace $0x80000047;
	s5 =	sor.u32 s3, s5;
	s8 =	ssub.s32 $0x2, s3  }
0x7: {  	s6 =	sshll.u32 s5, $0xC;
	s7 =	sshll.u32 s5, $0x5;
	s5 =	smul.u32 $0x600, s5  }
0x8: {  	s3 =	sadd.s32 $0x23C00, s4;
	s31 =	sshrl.u32 s8, $0x1;
	s6 =	sadd.s32 s6, s4  }
0x9: {  	s7 =	sadd.s32 s7, s4;
	s8 =	ssub.s32 s8, s31;
	s9 =	sadd.s32 s5, s4  }
0xa: {  	s4 =	sadd.s32 $0x3C00, s6;
	s5 =	sadd.s32 $0x3800, s7;
	s7 =	smax.u32 s8, $0x1  }
0xb: {  	s8 =	simm.s32 $0x8000;
	s6 =	sadd.s32 $0x24200, s9;
	s9 =	simm.s32 $0x8100  }
.LBB2_1:
0xc: {  	[tilespmem:s2], [sflag:$0x1] =	stream.linear.gather [hbm4b:s4+s2], $0x8000, $0x38;
	[tilespmem:$0xB100] =	vst v63  }
0xd: {  	_ = 	snop  }
0xe: {  	[tilespmem:s8], [sflag:$0x2] =	stream.linear.gather [hbm4b:s5+s2], $0x100, $0x38;
	[tilespmem:$0xB100] =	vst v63  }
0xf: {  	_ = 	snop  }
0x10: {  	[tilespmem:s9], [sflag:$0x3] =	stream.linear.gather [hbm4b:s3+s2], $0x3000, $0x38;
	[tilespmem:$0xB100] =	vst v63  }
0x11: {  	_ =	swait.ge [sflag:s10], $0x8000  }
0x12: {  	[sflag:s10] =	ssyncset.done $0x0  }
0x13: {  	[sflag:s10] =	ssyncadd.s32 $0xFFFF8000  }
0x14: {  	_ =	swait.ge [sflag:s11], $0x100  }
0x15: {  	[sflag:s11] =	ssyncset.done $0x0  }
0x16: {  	[sflag:s11] =	ssyncadd.s32 $0xFFFFFF00  }
0x17: {  	_ =	swait.ge [sflag:s12], $0x3000  }
0x18: {  	[sflag:s12] =	ssyncset.done $0x0  }
0x19: {  	[sflag:s12] =	ssyncadd.s32 $0xFFFFD000  }
0x1a: {  	v0 =	vld [tilespmem:$0x8000];
	_ =	sdelay $0x4  }
0x1b: {  	(v2sf) =	vpush v0, $0x0;
	_ =	sdelay $0xd  }
0x1c: {  	v1 =	vimm.f32 $0.0e+00  }
0x1d: {  	s15 =	simm.s32 $0x400;
	s16 =	simm.s32 $0x0;
	v2 =	vimm.f32 $0.0e+00;
	v4 =	vimm.f32 $0.0e+00;
	v3 =	vimm.f32 $0.0e+00;
	s17 =	spop (v2sf)  }
.LBB2_2:
0x1e: {  	s18 =	sshra.s32 s16, $0x2  }
0x1f: {  	v0 =	vld [tilespmem:s18+$0x8000];
	_ =	sdelay $0x4  }
0x20: {  	(v2sf) =	vpush v0, $0x0;
	_ =	sdelay $0xa  }
0x21: {  	(v2sf) =	vpush v0, $0x1;
	_ =	sdelay $0x3  }
0x22: {  	v5 =	vld [tilespmem:s15+$0xFFFFFC00];
	s21 =	spop (v2sf)  }
0x23: {  	v6 =	vld [tilespmem:s15+$0xFFFFFC10];
	p0 =	seq.s32 s21, s17;
	s17 =	simm.f32 $1.000000000e+00  }
0x24: {  	v7 =	vld [tilespmem:s15+$0xFFFFFC20];
	s17 =	simm.s32 @!p0 $0x0  }
0x25: {  	v8 =	vld [tilespmem:s15+$0xFFFFFC30];
	v3 =	vmul.f32 s17, v3  }
0x26: {  	v4 =	vmul.f32 s17, v4  }
0x27: {  	s19 =	sshll.u32 s21, $0x9;
	v2 =	vmul.f32 s17, v2;
	v3 =	vadd.f32 v3, v5  }
0x28: {  	s22 =	sshra.s32 s19, $0x2;
	v1 =	vmul.f32 s17, v1;
	v4 =	vadd.f32 v4, v6  }
0x29: {  	(v2sf) =	vpush v0, $0x2;
	v2 =	vadd.f32 v2, v7;
	[tilespmem:s22+$0x8100] =	vst v3  }
0x2a: {  	v1 =	vadd.f32 v1, v8;
	[tilespmem:s22+$0x8110] =	vst v4  }
0x2b: {  	[tilespmem:s22+$0x8120] =	vst v2  }
0x2c: {  	[tilespmem:s22+$0x8130] =	vst v1  }
0x2d: {  	s23 =	spop (v2sf);
	v5 =	vld [tilespmem:s15+$0xFFFFFC80]  }
0x2e: {  	s18 =	simm.f32 $1.000000000e+00;
	p0 =	seq.s32 s23, s21;
	v6 =	vld [tilespmem:s15+$0xFFFFFC90]  }
0x2f: {  	s18 =	simm.s32 @!p0 $0x0;
	v7 =	vld [tilespmem:s15+$0xFFFFFCA0]  }
0x30: {  	v3 =	vmul.f32 s18, v3;
	v50 =	vld [tilespmem:s15+$0xFFFFFCB0]  }
0x31: {  	v4 =	vmul.f32 s18, v4  }
0x32: {  	s24 =	sshll.u32 s23, $0x9;
	v2 =	vmul.f32 s18, v2;
	v3 =	vadd.f32 v5, v3  }
0x33: {  	s25 =	sshra.s32 s24, $0x2;
	v1 =	vmul.f32 s18, v1;
	v4 =	vadd.f32 v6, v4  }
0x34: {  	(v2sf) =	vpush v0, $0x3;
	v2 =	vadd.f32 v7, v2;
	[tilespmem:s25+$0x8100] =	vst v3  }
0x35: {  	v1 =	vadd.f32 v50, v1;
	[tilespmem:s25+$0x8110] =	vst v4  }
0x36: {  	[tilespmem:s25+$0x8120] =	vst v2  }
0x37: {  	[tilespmem:s25+$0x8130] =	vst v1  }
0x38: {  	s26 =	spop (v2sf);
	v5 =	vld [tilespmem:s15+$0xFFFFFD00]  }
0x39: {  	s17 =	simm.f32 $1.000000000e+00;
	p0 =	seq.s32 s26, s23;
	v6 =	vld [tilespmem:s15+$0xFFFFFD10]  }
0x3a: {  	v7 =	vld [tilespmem:s15+$0xFFFFFD20];
	s17 =	simm.s32 @!p0 $0x0  }
0x3b: {  	v51 =	vld [tilespmem:s15+$0xFFFFFD30];
	v3 =	vmul.f32 s17, v3  }
0x3c: {  	v4 =	vmul.f32 s17, v4  }
0x3d: {  	s28 =	sshll.u32 s26, $0x9;
	v2 =	vmul.f32 s17, v2;
	v3 =	vadd.f32 v5, v3  }
0x3e: {  	s29 =	sshra.s32 s28, $0x2;
	v1 =	vmul.f32 s17, v1;
	v4 =	vadd.f32 v6, v4  }
0x3f: {  	(v2sf) =	vpush v0, $0x4;
	v2 =	vadd.f32 v7, v2;
	[tilespmem:s29+$0x8100] =	vst v3  }
0x40: {  	v1 =	vadd.f32 v51, v1;
	[tilespmem:s29+$0x8110] =	vst v4  }
0x41: {  	[tilespmem:s29+$0x8120] =	vst v2  }
0x42: {  	[tilespmem:s29+$0x8130] =	vst v1  }
0x43: {  	s30 =	spop (v2sf);
	v5 =	vld [tilespmem:s15+$0xFFFFFD80]  }
0x44: {  	s18 =	simm.f32 $1.000000000e+00;
	p0 =	seq.s32 s30, s26;
	v6 =	vld [tilespmem:s15+$0xFFFFFD90]  }
0x45: {  	s18 =	simm.s32 @!p0 $0x0;
	v7 =	vld [tilespmem:s15+$0xFFFFFDA0]  }
0x46: {  	v3 =	vmul.f32 s18, v3;
	v52 =	vld [tilespmem:s15+$0xFFFFFDB0]  }
0x47: {  	v4 =	vmul.f32 s18, v4  }
0x48: {  	s31 =	sshll.u32 s30, $0x9;
	v2 =	vmul.f32 s18, v2;
	v3 =	vadd.f32 v5, v3  }
0x49: {  	s19 =	sshra.s32 s31, $0x2;
	v1 =	vmul.f32 s18, v1;
	v4 =	vadd.f32 v6, v4  }
0x4a: {  	(v2sf) =	vpush v0, $0x5;
	v2 =	vadd.f32 v7, v2;
	[tilespmem:s19+$0x8100] =	vst v3  }
0x4b: {  	v1 =	vadd.f32 v52, v1;
	[tilespmem:s19+$0x8110] =	vst v4  }
0x4c: {  	[tilespmem:s19+$0x8120] =	vst v2  }
0x4d: {  	[tilespmem:s19+$0x8130] =	vst v1  }
0x4e: {  	s20 =	spop (v2sf);
	v5 =	vld [tilespmem:s15+$0xFFFFFE00]  }
0x4f: {  	s17 =	simm.f32 $1.000000000e+00;
	p0 =	seq.s32 s20, s30;
	v6 =	vld [tilespmem:s15+$0xFFFFFE10]  }
0x50: {  	s17 =	simm.s32 @!p0 $0x0;
	v7 =	vld [tilespmem:s15+$0xFFFFFE20]  }
0x51: {  	v53 =	vld [tilespmem:s15+$0xFFFFFE30];
	v3 =	vmul.f32 s17, v3  }
0x52: {  	v4 =	vmul.f32 s17, v4  }
0x53: {  	s21 =	sshll.u32 s20, $0x9;
	v2 =	vmul.f32 s17, v2;
	v3 =	vadd.f32 v5, v3  }
0x54: {  	s22 =	sshra.s32 s21, $0x2;
	v1 =	vmul.f32 s17, v1;
	v4 =	vadd.f32 v6, v4  }
0x55: {  	(v2sf) =	vpush v0, $0x6;
	v2 =	vadd.f32 v7, v2;
	[tilespmem:s22+$0x8100] =	vst v3  }
0x56: {  	v1 =	vadd.f32 v53, v1;
	[tilespmem:s22+$0x8110] =	vst v4  }
0x57: {  	[tilespmem:s22+$0x8120] =	vst v2  }
0x58: {  	[tilespmem:s22+$0x8130] =	vst v1  }
0x59: {  	s23 =	spop (v2sf);
	v5 =	vld [tilespmem:s15+$0xFFFFFE80]  }
0x5a: {  	s18 =	simm.f32 $1.000000000e+00;
	p0 =	seq.s32 s23, s20;
	v6 =	vld [tilespmem:s15+$0xFFFFFE90]  }
0x5b: {  	s18 =	simm.s32 @!p0 $0x0;
	v7 =	vld [tilespmem:s15+$0xFFFFFEA0]  }
0x5c: {  	v3 =	vmul.f32 s18, v3;
	v54 =	vld [tilespmem:s15+$0xFFFFFEB0]  }
0x5d: {  	v4 =	vmul.f32 s18, v4  }
0x5e: {  	s24 =	sshll.u32 s23, $0x9;
	v2 =	vmul.f32 s18, v2;
	v3 =	vadd.f32 v5, v3  }
0x5f: {  	s25 =	sshra.s32 s24, $0x2;
	v1 =	vmul.f32 s18, v1;
	v4 =	vadd.f32 v6, v4  }
0x60: {  	(v2sf) =	vpush v0, $0x7;
	v2 =	vadd.f32 v7, v2;
	[tilespmem:s25+$0x8100] =	vst v3  }
0x61: {  	v1 =	vadd.f32 v54, v1;
	[tilespmem:s25+$0x8110] =	vst v4  }
0x62: {  	[tilespmem:s25+$0x8120] =	vst v2  }
0x63: {  	[tilespmem:s25+$0x8130] =	vst v1  }
0x64: {  	s26 =	spop (v2sf);
	v5 =	vld [tilespmem:s15+$0xFFFFFF00]  }
0x65: {  	s17 =	simm.f32 $1.000000000e+00;
	p0 =	seq.s32 s26, s23;
	v6 =	vld [tilespmem:s15+$0xFFFFFF10]  }
0x66: {  	s17 =	simm.s32 @!p0 $0x0;
	v7 =	vld [tilespmem:s15+$0xFFFFFF20]  }
0x67: {  	v3 =	vmul.f32 s17, v3;
	v55 =	vld [tilespmem:s15+$0xFFFFFF30]  }
0x68: {  	v4 =	vmul.f32 s17, v4  }
0x69: {  	s28 =	sshll.u32 s26, $0x9;
	v2 =	vmul.f32 s17, v2;
	v3 =	vadd.f32 v5, v3  }
0x6a: {  	s29 =	sshra.s32 s28, $0x2;
	v1 =	vmul.f32 s17, v1;
	v4 =	vadd.f32 v6, v4  }
0x6b: {  	(v2sf) =	vpush v0, $0x8;
	v2 =	vadd.f32 v7, v2;
	[tilespmem:s29+$0x8100] =	vst v3  }
0x6c: {  	v1 =	vadd.f32 v55, v1;
	[tilespmem:s29+$0x8110] =	vst v4  }
0x6d: {  	[tilespmem:s29+$0x8120] =	vst v2  }
0x6e: {  	[tilespmem:s29+$0x8130] =	vst v1  }
0x6f: {  	s30 =	spop (v2sf);
	v5 =	vld [tilespmem:s15+$0xFFFFFF80]  }
0x70: {  	s18 =	simm.f32 $1.000000000e+00;
	p0 =	seq.s32 s30, s26;
	v6 =	vld [tilespmem:s15+$0xFFFFFF90]  }
0x71: {  	s18 =	simm.s32 @!p0 $0x0;
	v7 =	vld [tilespmem:s15+$0xFFFFFFA0]  }
0x72: {  	v3 =	vmul.f32 s18, v3;
	v56 =	vld [tilespmem:s15+$0xFFFFFFB0]  }
0x73: {  	v4 =	vmul.f32 s18, v4  }
0x74: {  	s31 =	sshll.u32 s30, $0x9;
	v2 =	vmul.f32 s18, v2;
	v3 =	vadd.f32 v5, v3  }
0x75: {  	s19 =	sshra.s32 s31, $0x2;
	v1 =	vmul.f32 s18, v1;
	v4 =	vadd.f32 v6, v4  }
0x76: {  	(v2sf) =	vpush v0, $0x9;
	v2 =	vadd.f32 v7, v2;
	[tilespmem:s19+$0x8100] =	vst v3  }
0x77: {  	v1 =	vadd.f32 v56, v1;
	[tilespmem:s19+$0x8110] =	vst v4  }
0x78: {  	[tilespmem:s19+$0x8120] =	vst v2  }
0x79: {  	[tilespmem:s19+$0x8130] =	vst v1  }
0x7a: {  	s20 =	spop (v2sf);
	v5 =	vld [tilespmem:s15+$0x0]  }
0x7b: {  	s17 =	simm.f32 $1.000000000e+00;
	p0 =	seq.s32 s20, s30;
	v6 =	vld [tilespmem:s15+$0x10]  }
0x7c: {  	s17 =	simm.s32 @!p0 $0x0;
	v7 =	vld [tilespmem:s15+$0x20]  }
0x7d: {  	v3 =	vmul.f32 s17, v3;
	v57 =	vld [tilespmem:s15+$0x30]  }
0x7e: {  	v4 =	vmul.f32 s17, v4  }
0x7f: {  	s21 =	sshll.u32 s20, $0x9;
	v2 =	vmul.f32 s17, v2;
	v3 =	vadd.f32 v5, v3  }
0x80: {  	s22 =	sshra.s32 s21, $0x2;
	v1 =	vmul.f32 s17, v1;
	v4 =	vadd.f32 v6, v4  }
0x81: {  	(v2sf) =	vpush v0, $0xA;
	v2 =	vadd.f32 v7, v2;
	[tilespmem:s22+$0x8100] =	vst v3  }
0x82: {  	v1 =	vadd.f32 v57, v1;
	[tilespmem:s22+$0x8110] =	vst v4  }
0x83: {  	[tilespmem:s22+$0x8120] =	vst v2  }
0x84: {  	[tilespmem:s22+$0x8130] =	vst v1  }
0x85: {  	s23 =	spop (v2sf);
	v5 =	vld [tilespmem:s15+$0x80]  }
0x86: {  	s18 =	simm.f32 $1.000000000e+00;
	p0 =	seq.s32 s23, s20;
	v6 =	vld [tilespmem:s15+$0x90]  }
0x87: {  	s18 =	simm.s32 @!p0 $0x0;
	v7 =	vld [tilespmem:s15+$0xA0]  }
0x88: {  	v3 =	vmul.f32 s18, v3;
	v58 =	vld [tilespmem:s15+$0xB0]  }
0x89: {  	v4 =	vmul.f32 s18, v4  }
0x8a: {  	s24 =	sshll.u32 s23, $0x9;
	v2 =	vmul.f32 s18, v2;
	v3 =	vadd.f32 v5, v3  }
0x8b: {  	s25 =	sshra.s32 s24, $0x2;
	v1 =	vmul.f32 s18, v1;
	v4 =	vadd.f32 v6, v4  }
0x8c: {  	(v2sf) =	vpush v0, $0xB;
	v2 =	vadd.f32 v7, v2;
	[tilespmem:s25+$0x8100] =	vst v3  }
0x8d: {  	v1 =	vadd.f32 v58, v1;
	[tilespmem:s25+$0x8110] =	vst v4  }
0x8e: {  	[tilespmem:s25+$0x8120] =	vst v2  }
0x8f: {  	[tilespmem:s25+$0x8130] =	vst v1  }
0x90: {  	s26 =	spop (v2sf);
	v5 =	vld [tilespmem:s15+$0x100]  }
0x91: {  	s17 =	simm.f32 $1.000000000e+00;
	p0 =	seq.s32 s26, s23;
	v6 =	vld [tilespmem:s15+$0x110]  }
0x92: {  	s17 =	simm.s32 @!p0 $0x0;
	v7 =	vld [tilespmem:s15+$0x120]  }
0x93: {  	v3 =	vmul.f32 s17, v3;
	v59 =	vld [tilespmem:s15+$0x130]  }
0x94: {  	v4 =	vmul.f32 s17, v4  }
0x95: {  	s28 =	sshll.u32 s26, $0x9;
	v2 =	vmul.f32 s17, v2;
	v3 =	vadd.f32 v5, v3  }
0x96: {  	s29 =	sshra.s32 s28, $0x2;
	v1 =	vmul.f32 s17, v1;
	v4 =	vadd.f32 v6, v4  }
0x97: {  	(v2sf) =	vpush v0, $0xC;
	v2 =	vadd.f32 v7, v2;
	[tilespmem:s29+$0x8100] =	vst v3  }
0x98: {  	v1 =	vadd.f32 v59, v1;
	[tilespmem:s29+$0x8110] =	vst v4  }
0x99: {  	[tilespmem:s29+$0x8120] =	vst v2  }
0x9a: {  	[tilespmem:s29+$0x8130] =	vst v1  }
0x9b: {  	s30 =	spop (v2sf);
	v5 =	vld [tilespmem:s15+$0x180]  }
0x9c: {  	s18 =	simm.f32 $1.000000000e+00;
	p0 =	seq.s32 s30, s26;
	v6 =	vld [tilespmem:s15+$0x190]  }
0x9d: {  	s18 =	simm.s32 @!p0 $0x0;
	v7 =	vld [tilespmem:s15+$0x1A0]  }
0x9e: {  	v3 =	vmul.f32 s18, v3;
	v60 =	vld [tilespmem:s15+$0x1B0]  }
0x9f: {  	v4 =	vmul.f32 s18, v4  }
0xa0: {  	s31 =	sshll.u32 s30, $0x9;
	v2 =	vmul.f32 s18, v2;
	v3 =	vadd.f32 v5, v3  }
0xa1: {  	s19 =	sshra.s32 s31, $0x2;
	v1 =	vmul.f32 s18, v1;
	v4 =	vadd.f32 v6, v4  }
0xa2: {  	(v2sf) =	vpush v0, $0xD;
	v2 =	vadd.f32 v7, v2;
	[tilespmem:s19+$0x8100] =	vst v3  }
0xa3: {  	v1 =	vadd.f32 v60, v1;
	[tilespmem:s19+$0x8110] =	vst v4  }
0xa4: {  	[tilespmem:s19+$0x8120] =	vst v2  }
0xa5: {  	[tilespmem:s19+$0x8130] =	vst v1  }
0xa6: {  	s20 =	spop (v2sf);
	v5 =	vld [tilespmem:s15+$0x200]  }
0xa7: {  	s17 =	simm.f32 $1.000000000e+00;
	p0 =	seq.s32 s20, s30;
	v6 =	vld [tilespmem:s15+$0x210]  }
0xa8: {  	s17 =	simm.s32 @!p0 $0x0;
	v7 =	vld [tilespmem:s15+$0x220]  }
0xa9: {  	v3 =	vmul.f32 s17, v3;
	v61 =	vld [tilespmem:s15+$0x230]  }
0xaa: {  	v4 =	vmul.f32 s17, v4  }
0xab: {  	s21 =	sshll.u32 s20, $0x9;
	v2 =	vmul.f32 s17, v2;
	v3 =	vadd.f32 v5, v3  }
0xac: {  	s22 =	sshra.s32 s21, $0x2;
	v1 =	vmul.f32 s17, v1;
	v4 =	vadd.f32 v6, v4  }
0xad: {  	(v2sf) =	vpush v0, $0xE;
	v2 =	vadd.f32 v7, v2;
	[tilespmem:s22+$0x8100] =	vst v3  }
0xae: {  	v1 =	vadd.f32 v61, v1;
	[tilespmem:s22+$0x8110] =	vst v4  }
0xaf: {  	[tilespmem:s22+$0x8120] =	vst v2  }
0xb0: {  	[tilespmem:s22+$0x8130] =	vst v1  }
0xb1: {  	s23 =	spop (v2sf);
	v5 =	vld [tilespmem:s15+$0x280]  }
0xb2: {  	s18 =	simm.f32 $1.000000000e+00;
	p0 =	seq.s32 s23, s20;
	v6 =	vld [tilespmem:s15+$0x290]  }
0xb3: {  	s18 =	simm.s32 @!p0 $0x0;
	v7 =	vld [tilespmem:s15+$0x2A0]  }
0xb4: {  	v3 =	vmul.f32 s18, v3;
	v62 =	vld [tilespmem:s15+$0x2B0]  }
0xb5: {  	v4 =	vmul.f32 s18, v4  }
0xb6: {  	s24 =	sshll.u32 s23, $0x9;
	v2 =	vmul.f32 s18, v2;
	v3 =	vadd.f32 v5, v3  }
0xb7: {  	s25 =	sshra.s32 s24, $0x2;
	v1 =	vmul.f32 s18, v1;
	v4 =	vadd.f32 v6, v4  }
0xb8: {  	(v2sf) =	vpush v0, $0xF;
	v2 =	vadd.f32 v7, v2;
	[tilespmem:s25+$0x8100] =	vst v3  }
0xb9: {  	v0 =	vadd.f32 v62, v1;
	[tilespmem:s25+$0x8110] =	vst v4  }
0xba: {  	[tilespmem:s25+$0x8120] =	vst v2  }
0xbb: {  	[tilespmem:s25+$0x8130] =	vst v0  }
0xbc: {  	s26 =	spop (v2sf);
	v1 =	vld [tilespmem:s15+$0x300]  }
0xbd: {  	s17 =	simm.f32 $1.000000000e+00;
	p0 =	seq.s32 s26, s23;
	v5 =	vld [tilespmem:s15+$0x310]  }
0xbe: {  	s17 =	simm.s32 @!p0 $0x0;
	v6 =	vld [tilespmem:s15+$0x320]  }
0xbf: {  	v3 =	vmul.f32 s17, v3;
	v7 =	vld [tilespmem:s15+$0x330]  }
0xc0: {  	v4 =	vmul.f32 s17, v4  }
0xc1: {  	s28 =	sshll.u32 s26, $0x9;
	v2 =	vmul.f32 s17, v2;
	v1 =	vadd.f32 v1, v3  }
0xc2: {  	s29 =	sshra.s32 s28, $0x2;
	v0 =	vmul.f32 s17, v0;
	v3 =	vadd.f32 v5, v4  }
0xc3: {  	v2 =	vadd.f32 v6, v2;
	[tilespmem:s29+$0x8100] =	vst v1  }
0xc4: {  	v0 =	vadd.f32 v7, v0;
	[tilespmem:s29+$0x8110] =	vst v3  }
0xc5: {  	[tilespmem:s29+$0x8120] =	vst v2  }
0xc6: {  	[tilespmem:s29+$0x8130] =	vst v0  }
0xc7: {  	s17 =	spop (v2sf);
	v4 =	vld [tilespmem:s15+$0x380]  }
0xc8: {  	s18 =	simm.f32 $1.000000000e+00;
	p0 =	seq.s32 s17, s26;
	v5 =	vld [tilespmem:s15+$0x390]  }
0xc9: {  	s18 =	simm.s32 @!p0 $0x0;
	v6 =	vld [tilespmem:s15+$0x3A0]  }
0xca: {  	v1 =	vmul.f32 s18, v1;
	v7 =	vld [tilespmem:s15+$0x3B0]  }
0xcb: {  	v63 =	vmul.f32 s18, v3  }
0xcc: {  	s30 =	sshll.u32 s17, $0x9;
	p0 =	sne.s32 s16, $0x3C0;
	v3 =	vadd.f32 v4, v1;
	v1 =	vmul.f32 s18, v2  }
.Ltmp0:
0xcd: {  	s31 =	sshra.s32 s30, $0x2;
	v0 =	vmul.f32 s18, v0;
	v4 =	vadd.f32 v5, v63;
	(pc) =	sbr.rel @p0 .LBB2_2-.Ltmp0, $4  }
0xce: {  	v2 =	vadd.f32 v6, v1;
	[tilespmem:s31+$0x8100] =	vst v3  }
0xcf: {  	v1 =	vadd.f32 v7, v0;
	[tilespmem:s31+$0x8110] =	vst v4  }
0xd0: {  	[tilespmem:s31+$0x8120] =	vst v2  }
0xd1: {  	s16 =	sadd.s32 $0x40, s16;
	s15 =	sadd.s32 $0x800, s15;
	[tilespmem:s31+$0x8130] =	vst v1  }
0xd2: {  	s14 =	sadd.s32 $0x1, s14  }
0xd3: {  	p0 =	sne.s32 s14, s7  }
.Ltmp1:
0xd4: {  	_ = 	snop;
	(pc) =	sbr.rel @p0 .LBB2_1-.Ltmp1, $4  }
0xd5: {  	[hbm4b:s6+s2] =	stream.linear.scatter [tilespmem:s9], [sflag:$0x4], $0x3000, $0x38;
	[tilespmem:$0xB100] =	vst v63  }
0xd6: {  	_ =	swait.ge [sflag:s13], $0x3000  }
0xd7: {  	[sflag:s13] =	ssyncset.done $0x0  }
0xd8: {  	[sflag:s13] =	ssyncadd.s32 $0xFFFFD000  }
0xd9: {  	_ =	sfence.sel $0x180000  }
0xda: {  	[bflag:$0x0] =	sbarrier.arrive $0xFFFF  }
0xdb: {  	p0 =	sne.s32 s1, $0x0;
	_ =	strace $0x90000047  }
0xdc: {  	s0 =	sadd.s32 @!p0 $0x100000, s0;
	[bflag:$0x2] =	sbarrier.arrive $0xFFFF  }
0xdd: {  	[sflag:s0] =	ssyncadd.tile.s32 @!p0 $0x1;
	_ =	shalt  }
.Lfunc_end2:
_tile_overlayer_lowered:
.L_overlay_start_2:
0xde: {  	(tag) =	ssettag $0x2  }
0xdf: {  	s0 =	rddreg [dreg:$0x0];
	s2 =	stileid.u32  }
0xe0: {  	s1 =	rddreg [dreg:$0x1];
	p0 =	sne.s32 s2, $0x0  }
0xe1: {  	s3 =	rddreg [dreg:$0x2];
	[bflag:$0x3] =	sbarrier.arrive $0xFFFF;
	s2 =	simm.s32 @!p0 $0x1C04  }
0xe2: {  	[timem:s3], [sflag:s2] =	dma.local @!p0 [hbm:s0], s1  }
0xe3: {  	s0 =	simm.s32 @!p0 $0x4  }
0xe4: {  	_ =	swait.ge @!p0 [sflag:s0], s1  }
0xe5: {  	s1 =	ssub.s32 @!p0 $0x0, s1;
	[sflag:s0] =	ssyncset.done @!p0 $0x0  }
0xe6: {  	[sflag:s0] =	ssyncadd.s32 @!p0 s1  }
0xe7: {  	[bflag:$0x3] =	sbarrier.arrive $0xFFFF  }
0xe8: {  	_ =	shalt  }

</sc_bundles>
